<compile_context>
chip_gen: v7x
topology: tpu7x:2x2x1
jax: 0.10.2.dev20260603
libtpu: 0.0.44.dev20260713+nightly
codegen_flags: <defaults>
</compile_context>

<pallas_src>
import jax
import jax.numpy as jnp
from jax import lax
from jax.experimental import pallas as pl
from jax.experimental.pallas import tpu as pltpu
from jax.experimental.pallas import tpu_sc as plsc

N = 10000
E = 320000
D = 128

NC = 2
NS = 16
NW = NC * NS
NPAD = 10240
ROWS_PER_TILE = NPAD // NS
CHUNK = 128
G = 40
HEAVY_CORE = 1
C_HEAVY = 120
C_LIGHT = 40
TOT_CHUNKS = NS * (C_HEAVY + C_LIGHT)
EPAD = TOT_CHUNKS * CHUNK
NBLK = TOT_CHUNKS // G


def _sc_body(x_hbm, src_hbm, dst_hbm, zrow_hbm,
             agg_out, cnt_out,
             src_i, dst_i, rows0, rows1, ones_v, cnt_v,
             agg_sh, cnt_sh, sem0, sem1):
    c = lax.axis_index("c")
    s = lax.axis_index("s")
    row0 = s * ROWS_PER_TILE

    pltpu.sync_copy(zrow_hbm, agg_sh.at[pl.ds(row0, ROWS_PER_TILE)])
    z16 = jnp.zeros((16,), jnp.float32)
    for i in range(ROWS_PER_TILE // 16):
        cnt_v[pl.ds(i * 16, 16)] = z16
    pltpu.sync_copy(cnt_v, cnt_sh.at[pl.ds(row0, ROWS_PER_TILE)])
    o16 = jnp.ones((16,), jnp.float32)
    for i in range(CHUNK // 16):
        ones_v[pl.ds(i * 16, 16)] = o16
    plsc.subcore_barrier()

    rows = (rows0, rows1)
    sems = (sem0, sem1)
    nstage = jnp.where(c == HEAVY_CORE, C_HEAVY // G, C_LIGHT // G)
    blk0 = jnp.where(c == HEAVY_CORE, s * (C_HEAVY // G),
                     NS * (C_HEAVY // G) + s * (C_LIGHT // G))

    def gather(j, b):
        return pltpu.async_copy(x_hbm.at[src_i.at[j]], rows[b], sems[b])

    def scatter(j, b):
        pltpu.make_async_copy(x_hbm.at[src_i.at[j]], rows[b],
                              sems[b]).wait()
        pltpu.sync_copy(rows[b], agg_sh.at[dst_i.at[j]], add=True)
        pltpu.sync_copy(ones_v, cnt_sh.at[dst_i.at[j]], add=True)

    def stage(st, carry):
        pltpu.sync_copy(src_hbm.at[blk0 + st], src_i)
        pltpu.sync_copy(dst_hbm.at[blk0 + st], dst_i)
        gather(0, 0)

        def pair(i, carry2):
            j0 = 2 * i
            gather(j0 + 1, 1)
            scatter(j0, 0)

            @pl.when(i < G // 2 - 1)
            def _():
                gather(j0 + 2, 0)

            scatter(j0 + 1, 1)
            return carry2

        lax.fori_loop(0, G // 2, pair, 0)
        return carry

    lax.fori_loop(0, nstage, stage, 0)
    plsc.subcore_barrier()

    pltpu.sync_copy(agg_sh.at[pl.ds(row0, ROWS_PER_TILE)],
                    agg_out.at[c, pl.ds(row0, ROWS_PER_TILE)])
    pltpu.sync_copy(cnt_sh.at[pl.ds(row0, ROWS_PER_TILE)],
                    cnt_out.at[c, pl.ds(row0, ROWS_PER_TILE)])


@jax.jit
def _sc_aggregate(x, src, dst, zrow):
    mesh = plsc.VectorSubcoreMesh(core_axis_name="c", subcore_axis_name="s",
                                  num_cores=NC, num_subcores=NS)
    return pl.kernel(
        _sc_body,
        out_type=[
            jax.ShapeDtypeStruct((NC, NPAD, D), jnp.float32),
            jax.ShapeDtypeStruct((NC, NPAD), jnp.float32),
        ],
        mesh=mesh,
        scratch_types=[
            pltpu.VMEM((G, CHUNK), jnp.int32),
            pltpu.VMEM((G, CHUNK), jnp.int32),
            pltpu.VMEM((CHUNK, D), jnp.float32),
            pltpu.VMEM((CHUNK, D), jnp.float32),
            pltpu.VMEM((CHUNK,), jnp.float32),
            pltpu.VMEM((ROWS_PER_TILE,), jnp.float32),
            pltpu.VMEM_SHARED((NPAD, D), jnp.float32),
            pltpu.VMEM_SHARED((NPAD,), jnp.float32),
            pltpu.SemaphoreType.DMA,
            pltpu.SemaphoreType.DMA,
        ],
    )(x, src, dst, zrow)


BLK = 1024


def _tc_body(scal_ref, agg0, agg1, cnt0, cnt1, x_ref, rr_ref,
             wlT_ref, wrT_ref, brow_ref, wsT_ref, out_ref):
    a = scal_ref[0]
    bs_ = scal_ref[1]
    agg = agg0[...] + agg1[...]
    cnt = jnp.maximum(cnt0[...] + cnt1[...], 1.0)
    mean = agg / cnt
    xb = x_ref[...]
    z = (jnp.dot(mean, wlT_ref[...], preferred_element_type=jnp.float32)
         + jnp.dot(xb, wrT_ref[...], preferred_element_type=jnp.float32)
         + brow_ref[...])
    h = jnp.maximum(z, 0.0) + xb
    gnn = jnp.dot(h, wsT_ref[...], preferred_element_type=jnp.float32) + bs_
    out_ref[...] = a * rr_ref[...] + (1.0 - a) * gnn


@jax.jit
def _tc_tail(scal, agg0, agg1, cnt0, cnt1, xp, rrp, wlT, wrT, brow, wsT):
    grid = (NPAD // BLK,)
    return pl.pallas_call(
        _tc_body,
        grid=grid,
        in_specs=[
            pl.BlockSpec(memory_space=pltpu.SMEM),
            pl.BlockSpec((BLK, D), lambda i: (i, 0)),
            pl.BlockSpec((BLK, D), lambda i: (i, 0)),
            pl.BlockSpec((BLK, 1), lambda i: (i, 0)),
            pl.BlockSpec((BLK, 1), lambda i: (i, 0)),
            pl.BlockSpec((BLK, D), lambda i: (i, 0)),
            pl.BlockSpec((BLK, 1), lambda i: (i, 0)),
            pl.BlockSpec((D, D), lambda i: (0, 0)),
            pl.BlockSpec((D, D), lambda i: (0, 0)),
            pl.BlockSpec((1, D), lambda i: (0, 0)),
            pl.BlockSpec((D, 1), lambda i: (0, 0)),
        ],
        out_specs=pl.BlockSpec((BLK, 1), lambda i: (i, 0)),
        out_shape=jax.ShapeDtypeStruct((NPAD, 1), jnp.float32),
    )(scal, agg0, agg1, cnt0, cnt1, xp, rrp, wlT, wrT, brow, wsT)


def kernel(x, edge_index, reranker_scores, Wl, bl, Wr, br, Ws, bs, alpha):
    src = edge_index[0].astype(jnp.int32)
    dst = edge_index[1].astype(jnp.int32)
    src = jnp.concatenate([src, jnp.zeros((EPAD - E,), jnp.int32)])
    dst = jnp.concatenate([dst, jnp.full((EPAD - E,), N, jnp.int32)])
    src = src.reshape(NBLK, G, CHUNK)
    dst = dst.reshape(NBLK, G, CHUNK)
    zrow = jnp.zeros((ROWS_PER_TILE, D), jnp.float32)

    agg, cnt = _sc_aggregate(x, src, dst, zrow)

    xp = jnp.concatenate([x, jnp.zeros((NPAD - N, D), jnp.float32)])
    rrp = jnp.concatenate([reranker_scores,
                           jnp.zeros((NPAD - N,), jnp.float32)])[:, None]
    a = jax.nn.sigmoid(alpha)
    scal = jnp.stack([a, bs[0]])
    brow = (bl + br)[None, :]
    out = _tc_tail(scal, agg[0], agg[1], cnt[0, :, None], cnt[1, :, None],
                   xp, rrp, Wl.T, Wr.T, brow, Ws.T)
    return out[:N, 0]

# --- scband reference (transcript-rebuilt; emitter-appended) ---
"""Pipeline reference for scband-contrastive-pretrained-sage-48885317763313 (READ-ONLY COPY).

The authoritative reference and input builder live on the scoring server;
editing this copy changes nothing except your own understanding.
"""

import jax, jax.numpy as jnp
import numpy as np

N = 10000
E = 320000
D_IN = 128
D_H = 128


def setup_inputs(seed: int = 0) -> dict:
    key = jax.random.key(seed)
    ks = jax.random.split(key, 10)
    x = jax.random.normal(ks[0], (N, D_IN), dtype=jnp.float32)
    edge_index = jax.random.randint(ks[1], (2, E), 0, N, dtype=jnp.int64)
    reranker_scores = jax.random.normal(ks[2], (N,), dtype=jnp.float32)
    # SAGEConv params: lin_l applied to aggregated neighbor mean, lin_r to root
    s = 1.0 / np.sqrt(D_IN)
    Wl = jax.random.uniform(ks[3], (D_H, D_IN), minval=-s, maxval=s, dtype=jnp.float32)
    bl = jnp.zeros((D_H,), dtype=jnp.float32)
    Wr = jax.random.uniform(ks[4], (D_H, D_IN), minval=-s, maxval=s, dtype=jnp.float32)
    br = jnp.zeros((D_H,), dtype=jnp.float32)
    s2 = 1.0 / np.sqrt(D_H)
    Ws = jax.random.uniform(ks[5], (1, D_H), minval=-s2, maxval=s2, dtype=jnp.float32)
    bs = jax.random.uniform(ks[6], (1,), minval=-s2, maxval=s2, dtype=jnp.float32)
    alpha = jnp.array(0.65, dtype=jnp.float32)
    return {"x": x, "edge_index": edge_index, "reranker_scores": reranker_scores,
            "Wl": Wl, "bl": bl, "Wr": Wr, "br": br, "Ws": Ws, "bs": bs, "alpha": alpha}


def sage_conv(x, edge_index, Wl, bl, Wr, br):
    src = edge_index[0]
    dst = edge_index[1]
    msgs = jnp.take(x, src, axis=0)                       # gather [E, D]
    agg = jax.ops.segment_sum(msgs, dst, num_segments=N)  # scatter-add [N, D]
    cnt = jax.ops.segment_sum(jnp.ones((msgs.shape[0],), dtype=x.dtype), dst, num_segments=N)
    mean = agg / jnp.clip(cnt, 1.0, None)[:, None]        # mean aggregation
    return mean @ Wl.T + bl + x @ Wr.T + br


def reference(x, edge_index, reranker_scores, Wl, bl, Wr, br, Ws, bs, alpha):
    # residual_proj is None since input_dim == hidden_dim
    h_in = x
    # encode: single SAGEConv layer + ReLU (dropout is identity in eval)
    h = jax.nn.relu(sage_conv(x, edge_index, Wl, bl, Wr, br))
    h = h + h_in
    gnn_scores = (h @ Ws.T + bs).squeeze(-1)
    a = jax.nn.sigmoid(alpha)
    return a * reranker_scores + (1.0 - a) * gnn_scores

if __name__ == "__main__":
    import jax
    _d = setup_inputs()
    print(jax.jit(kernel)(*tuple(_d.values())))

</pallas_src>

<mosaic_0001>
#map = affine_map<(d0, d1) -> (0, 0)>
#map1 = affine_map<(d0, d1) -> (0, 0, 0)>
module attributes {stable_mosaic.version = 14 : i64} {
  func.func @_sc_body(%arg0: i32, %arg1: i32, %arg2: memref<10000x128xf32, #tpu.memory_space<hbm>>, %arg3: memref<64x40x128xi32, #tpu.memory_space<hbm>>, %arg4: memref<64x40x128xi32, #tpu.memory_space<hbm>>, %arg5: memref<640x128xf32, #tpu.memory_space<hbm>>, %arg6: memref<2x10240x128xf32, #tpu.memory_space<hbm>>, %arg7: memref<2x10240xf32, #tpu.memory_space<hbm>>, %arg8: memref<40x128xi32, #tpu.memory_space<vmem>>, %arg9: memref<40x128xi32, #tpu.memory_space<vmem>>, %arg10: memref<128x128xf32, #tpu.memory_space<vmem>>, %arg11: memref<128x128xf32, #tpu.memory_space<vmem>>, %arg12: memref<128xf32, #tpu.memory_space<vmem>>, %arg13: memref<640xf32, #tpu.memory_space<vmem>>, %arg14: memref<10240x128xf32, #tpu.memory_space<vmem_shared>>, %arg15: memref<10240xf32, #tpu.memory_space<vmem_shared>>, %arg16: memref<!tpu.dma_semaphore, #tpu.memory_space<semaphore_mem>>, %arg17: memref<!tpu.dma_semaphore, #tpu.memory_space<semaphore_mem>>) attributes {dimension_semantics = [#tpu.dimension_semantics<core_parallel>, #tpu.dimension_semantics<subcore_parallel>], iteration_bounds = array<i64: 2, 16>, scalar_prefetch = 0 : i64, scratch_operands = 10 : i64, tpu.core_type = #tpu.core_type<sc_vector_subcore>, window_params = [{transform_indices = #map}, {transform_indices = #map1}, {transform_indices = #map1}, {transform_indices = #map}, {transform_indices = #map1}, {transform_indices = #map}]} {
    %mul3A = arith.constant 640 : i32
    %mul3A_0 = arith.muli %arg1, %mul3A : i32
    "tpu.region"() ({
      %run_scoped3A = tpu.sem_alloc : memref<!tpu.dma_semaphore, #tpu.memory_space<semaphore_mem>>
      %dma_start3A = arith.constant 0 : i32
      %dma_start3A_215 = tpu.memref_slice %arg14[%mul3A_0, %dma_start3A] : memref<10240x128xf32, #tpu.memory_space<vmem_shared>> -> memref<640x128xf32, #tpu.memory_space<vmem_shared>>
      tpu.enqueue_dma source(%arg5 : memref<640x128xf32, #tpu.memory_space<hbm>>) target(%dma_start3A_215 : memref<640x128xf32, #tpu.memory_space<vmem_shared>>) target_semaphore(%run_scoped3A : memref<!tpu.dma_semaphore, #tpu.memory_space<semaphore_mem>>)
      %dma_wait3A = arith.constant 0 : i32
      %dma_wait3A_216 = tpu.memref_slice %arg14[%mul3A_0, %dma_wait3A] : memref<10240x128xf32, #tpu.memory_space<vmem_shared>> -> memref<640x128xf32, #tpu.memory_space<vmem_shared>>
      tpu.wait_dma2 semaphore(%run_scoped3A : memref<!tpu.dma_semaphore, #tpu.memory_space<semaphore_mem>>) src(%arg5 : memref<640x128xf32, #tpu.memory_space<hbm>>) dst(%dma_wait3A_216 : memref<640x128xf32, #tpu.memory_space<vmem_shared>>)
      tpu.yield
    }) : () -> ()
    %broadcast_in_dim3A = arith.constant 0.000000e+00 : f32
    %broadcast_in_dim3A_1 = vector.broadcast %broadcast_in_dim3A : f32 to vector<16xf32>
    %swap3A = arith.constant 0 : index
    %swap3A_2 = tpu.vector_load %arg13[%swap3A] {strides = array<i32>} : memref<640xf32, #tpu.memory_space<vmem>>, vector<16xf32>,
    %swap3A_3 = vector.shape_cast %swap3A_2 : vector<16xf32> to vector<16xf32>
    %swap3A_4 = vector.shape_cast %broadcast_in_dim3A_1 : vector<16xf32> to vector<16xf32>
    tpu.vector_store %arg13[%swap3A], %swap3A_4 {strides = array<i32>} : memref<640xf32, #tpu.memory_space<vmem>>, vector<16xf32>,
    %swap3A_5 = arith.constant 16 : index
    %swap3A_6 = tpu.vector_load %arg13[%swap3A_5] {strides = array<i32>} : memref<640xf32, #tpu.memory_space<vmem>>, vector<16xf32>,
    %swap3A_7 = vector.shape_cast %swap3A_6 : vector<16xf32> to vector<16xf32>
    %swap3A_8 = vector.shape_cast %broadcast_in_dim3A_1 : vector<16xf32> to vector<16xf32>
    tpu.vector_store %arg13[%swap3A_5], %swap3A_8 {strides = array<i32>} : memref<640xf32, #tpu.memory_space<vmem>>, vector<16xf32>,
    %swap3A_9 = arith.constant 32 : index
    %swap3A_10 = tpu.vector_load %arg13[%swap3A_9] {strides = array<i32>} : memref<640xf32, #tpu.memory_space<vmem>>, vector<16xf32>,
    %swap3A_11 = vector.shape_cast %swap3A_10 : vector<16xf32> to vector<16xf32>
    %swap3A_12 = vector.shape_cast %broadcast_in_dim3A_1 : vector<16xf32> to vector<16xf32>
    tpu.vector_store %arg13[%swap3A_9], %swap3A_12 {strides = array<i32>} : memref<640xf32, #tpu.memory_space<vmem>>, vector<16xf32>,
    %swap3A_13 = arith.constant 48 : index
    %swap3A_14 = tpu.vector_load %arg13[%swap3A_13] {strides = array<i32>} : memref<640xf32, #tpu.memory_space<vmem>>, vector<16xf32>,
    %swap3A_15 = vector.shape_cast %swap3A_14 : vector<16xf32> to vector<16xf32>
    %swap3A_16 = vector.shape_cast %broadcast_in_dim3A_1 : vector<16xf32> to vector<16xf32>
    tpu.vector_store %arg13[%swap3A_13], %swap3A_16 {strides = array<i32>} : memref<640xf32, #tpu.memory_space<vmem>>, vector<16xf32>,
    %swap3A_17 = arith.constant 64 : index
    %swap3A_18 = tpu.vector_load %arg13[%swap3A_17] {strides = array<i32>} : memref<640xf32, #tpu.memory_space<vmem>>, vector<16xf32>,
    %swap3A_19 = vector.shape_cast %swap3A_18 : vector<16xf32> to vector<16xf32>
    %swap3A_20 = vector.shape_cast %broadcast_in_dim3A_1 : vector<16xf32> to vector<16xf32>
    tpu.vector_store %arg13[%swap3A_17], %swap3A_20 {strides = array<i32>} : memref<640xf32, #tpu.memory_space<vmem>>, vector<16xf32>,
    %swap3A_21 = arith.constant 80 : index
    %swap3A_22 = tpu.vector_load %arg13[%swap3A_21] {strides = array<i32>} : memref<640xf32, #tpu.memory_space<vmem>>, vector<16xf32>,
    %swap3A_23 = vector.shape_cast %swap3A_22 : vector<16xf32> to vector<16xf32>
    %swap3A_24 = vector.shape_cast %broadcast_in_dim3A_1 : vector<16xf32> to vector<16xf32>
    tpu.vector_store %arg13[%swap3A_21], %swap3A_24 {strides = array<i32>} : memref<640xf32, #tpu.memory_space<vmem>>, vector<16xf32>,
    %swap3A_25 = arith.constant 96 : index
    %swap3A_26 = tpu.vector_load %arg13[%swap3A_25] {strides = array<i32>} : memref<640xf32, #tpu.memory_space<vmem>>, vector<16xf32>,
    %swap3A_27 = vector.shape_cast %swap3A_26 : vector<16xf32> to vector<16xf32>
    %swap3A_28 = vector.shape_cast %broadcast_in_dim3A_1 : vector<16xf32> to vector<16xf32>
    tpu.vector_store %arg13[%swap3A_25], %swap3A_28 {strides = array<i32>} : memref<640xf32, #tpu.memory_space<vmem>>, vector<16xf32>,
    %swap3A_29 = arith.constant 112 : index
    %swap3A_30 = tpu.vector_load %arg13[%swap3A_29] {strides = array<i32>} : memref<640xf32, #tpu.memory_space<vmem>>, vector<16xf32>,
    %swap3A_31 = vector.shape_cast %swap3A_30 : vector<16xf32> to vector<16xf32>
    %swap3A_32 = vector.shape_cast %broadcast_in_dim3A_1 : vector<16xf32> to vector<16xf32>
    tpu.vector_store %arg13[%swap3A_29], %swap3A_32 {strides = array<i32>} : memref<640xf32, #tpu.memory_space<vmem>>, vector<16xf32>,
    %swap3A_33 = arith.constant 128 : index
    %swap3A_34 = tpu.vector_load %arg13[%swap3A_33] {strides = array<i32>} : memref<640xf32, #tpu.memory_space<vmem>>, vector<16xf32>,
    %swap3A_35 = vector.shape_cast %swap3A_34 : vector<16xf32> to vector<16xf32>
    %swap3A_36 = vector.shape_cast %broadcast_in_dim3A_1 : vector<16xf32> to vector<16xf32>
    tpu.vector_store %arg13[%swap3A_33], %swap3A_36 {strides = array<i32>} : memref<640xf32, #tpu.memory_space<vmem>>, vector<16xf32>,
    %swap3A_37 = arith.constant 144 : index
    %swap3A_38 = tpu.vector_load %arg13[%swap3A_37] {strides = array<i32>} : memref<640xf32, #tpu.memory_space<vmem>>, vector<16xf32>,
    %swap3A_39 = vector.shape_cast %swap3A_38 : vector<16xf32> to vector<16xf32>
    %swap3A_40 = vector.shape_cast %broadcast_in_dim3A_1 : vector<16xf32> to vector<16xf32>
    tpu.vector_store %arg13[%swap3A_37], %swap3A_40 {strides = array<i32>} : memref<640xf32, #tpu.memory_space<vmem>>, vector<16xf32>,
    %swap3A_41 = arith.constant 160 : index
    %swap3A_42 = tpu.vector_load %arg13[%swap3A_41] {strides = array<i32>} : memref<640xf32, #tpu.memory_space<vmem>>, vector<16xf32>,
    %swap3A_43 = vector.shape_cast %swap3A_42 : vector<16xf32> to vector<16xf32>
    %swap3A_44 = vector.shape_cast %broadcast_in_dim3A_1 : vector<16xf32> to vector<16xf32>
    tpu.vector_store %arg13[%swap3A_41], %swap3A_44 {strides = array<i32>} : memref<640xf32, #tpu.memory_space<vmem>>, vector<16xf32>,
    %swap3A_45 = arith.constant 176 : index
    %swap3A_46 = tpu.vector_load %arg13[%swap3A_45] {strides = array<i32>} : memref<640xf32, #tpu.memory_space<vmem>>, vector<16xf32>,
    %swap3A_47 = vector.shape_cast %swap3A_46 : vector<16xf32> to vector<16xf32>
    %swap3A_48 = vector.shape_cast %broadcast_in_dim3A_1 : vector<16xf32> to vector<16xf32>
    tpu.vector_store %arg13[%swap3A_45], %swap3A_48 {strides = array<i32>} : memref<640xf32, #tpu.memory_space<vmem>>, vector<16xf32>,
    %swap3A_49 = arith.constant 192 : index
    %swap3A_50 = tpu.vector_load %arg13[%swap3A_49] {strides = array<i32>} : memref<640xf32, #tpu.memory_space<vmem>>, vector<16xf32>,
    %swap3A_51 = vector.shape_cast %swap3A_50 : vector<16xf32> to vector<16xf32>
    %swap3A_52 = vector.shape_cast %broadcast_in_dim3A_1 : vector<16xf32> to vector<16xf32>
    tpu.vector_store %arg13[%swap3A_49], %swap3A_52 {strides = array<i32>} : memref<640xf32, #tpu.memory_space<vmem>>, vector<16xf32>,
    %swap3A_53 = arith.constant 208 : index
    %swap3A_54 = tpu.vector_load %arg13[%swap3A_53] {strides = array<i32>} : memref<640xf32, #tpu.memory_space<vmem>>, vector<16xf32>,
    %swap3A_55 = vector.shape_cast %swap3A_54 : vector<16xf32> to vector<16xf32>
    %swap3A_56 = vector.shape_cast %broadcast_in_dim3A_1 : vector<16xf32> to vector<16xf32>
    tpu.vector_store %arg13[%swap3A_53], %swap3A_56 {strides = array<i32>} : memref<640xf32, #tpu.memory_space<vmem>>, vector<16xf32>,
    %swap3A_57 = arith.constant 224 : index
    %swap3A_58 = tpu.vector_load %arg13[%swap3A_57] {strides = array<i32>} : memref<640xf32, #tpu.memory_space<vmem>>, vector<16xf32>,
    %swap3A_59 = vector.shape_cast %swap3A_58 : vector<16xf32> to vector<16xf32>
    %swap3A_60 = vector.shape_cast %broadcast_in_dim3A_1 : vector<16xf32> to vector<16xf32>
    tpu.vector_store %arg13[%swap3A_57], %swap3A_60 {strides = array<i32>} : memref<640xf32, #tpu.memory_space<vmem>>, vector<16xf32>,
    %swap3A_61 = arith.constant 240 : index
    %swap3A_62 = tpu.vector_load %arg13[%swap3A_61] {strides = array<i32>} : memref<640xf32, #tpu.memory_space<vmem>>, vector<16xf32>,
    %swap3A_63 = vector.shape_cast %swap3A_62 : vector<16xf32> to vector<16xf32>
    %swap3A_64 = vector.shape_cast %broadcast_in_dim3A_1 : vector<16xf32> to vector<16xf32>
    tpu.vector_store %arg13[%swap3A_61], %swap3A_64 {strides = array<i32>} : memref<640xf32, #tpu.memory_space<vmem>>, vector<16xf32>,
    %swap3A_65 = arith.constant 256 : index
    %swap3A_66 = tpu.vector_load %arg13[%swap3A_65] {strides = array<i32>} : memref<640xf32, #tpu.memory_space<vmem>>, vector<16xf32>,
    %swap3A_67 = vector.shape_cast %swap3A_66 : vector<16xf32> to vector<16xf32>
    %swap3A_68 = vector.shape_cast %broadcast_in_dim3A_1 : vector<16xf32> to vector<16xf32>
    tpu.vector_store %arg13[%swap3A_65], %swap3A_68 {strides = array<i32>} : memref<640xf32, #tpu.memory_space<vmem>>, vector<16xf32>,
    %swap3A_69 = arith.constant 272 : index
    %swap3A_70 = tpu.vector_load %arg13[%swap3A_69] {strides = array<i32>} : memref<640xf32, #tpu.memory_space<vmem>>, vector<16xf32>,
    %swap3A_71 = vector.shape_cast %swap3A_70 : vector<16xf32> to vector<16xf32>
    %swap3A_72 = vector.shape_cast %broadcast_in_dim3A_1 : vector<16xf32> to vector<16xf32>
    tpu.vector_store %arg13[%swap3A_69], %swap3A_72 {strides = array<i32>} : memref<640xf32, #tpu.memory_space<vmem>>, vector<16xf32>,
    %swap3A_73 = arith.constant 288 : index
    %swap3A_74 = tpu.vector_load %arg13[%swap3A_73] {strides = array<i32>} : memref<640xf32, #tpu.memory_space<vmem>>, vector<16xf32>,
    %swap3A_75 = vector.shape_cast %swap3A_74 : vector<16xf32> to vector<16xf32>
    %swap3A_76 = vector.shape_cast %broadcast_in_dim3A_1 : vector<16xf32> to vector<16xf32>
    tpu.vector_store %arg13[%swap3A_73], %swap3A_76 {strides = array<i32>} : memref<640xf32, #tpu.memory_space<vmem>>, vector<16xf32>,
    %swap3A_77 = arith.constant 304 : index
    %swap3A_78 = tpu.vector_load %arg13[%swap3A_77] {strides = array<i32>} : memref<640xf32, #tpu.memory_space<vmem>>, vector<16xf32>,
    %swap3A_79 = vector.shape_cast %swap3A_78 : vector<16xf32> to vector<16xf32>
    %swap3A_80 = vector.shape_cast %broadcast_in_dim3A_1 : vector<16xf32> to vector<16xf32>
    tpu.vector_store %arg13[%swap3A_77], %swap3A_80 {strides = array<i32>} : memref<640xf32, #tpu.memory_space<vmem>>, vector<16xf32>,
    %swap3A_81 = arith.constant 320 : index
    %swap3A_82 = tpu.vector_load %arg13[%swap3A_81] {strides = array<i32>} : memref<640xf32, #tpu.memory_space<vmem>>, vector<16xf32>,
    %swap3A_83 = vector.shape_cast %swap3A_82 : vector<16xf32> to vector<16xf32>
    %swap3A_84 = vector.shape_cast %broadcast_in_dim3A_1 : vector<16xf32> to vector<16xf32>
    tpu.vector_store %arg13[%swap3A_81], %swap3A_84 {strides = array<i32>} : memref<640xf32, #tpu.memory_space<vmem>>, vector<16xf32>,
    %swap3A_85 = arith.constant 336 : index
    %swap3A_86 = tpu.vector_load %arg13[%swap3A_85] {strides = array<i32>} : memref<640xf32, #tpu.memory_space<vmem>>, vector<16xf32>,
    %swap3A_87 = vector.shape_cast %swap3A_86 : vector<16xf32> to vector<16xf32>
    %swap3A_88 = vector.shape_cast %broadcast_in_dim3A_1 : vector<16xf32> to vector<16xf32>
    tpu.vector_store %arg13[%swap3A_85], %swap3A_88 {strides = array<i32>} : memref<640xf32, #tpu.memory_space<vmem>>, vector<16xf32>,
    %swap3A_89 = arith.constant 352 : index
    %swap3A_90 = tpu.vector_load %arg13[%swap3A_89] {strides = array<i32>} : memref<640xf32, #tpu.memory_space<vmem>>, vector<16xf32>,
    %swap3A_91 = vector.shape_cast %swap3A_90 : vector<16xf32> to vector<16xf32>
    %swap3A_92 = vector.shape_cast %broadcast_in_dim3A_1 : vector<16xf32> to vector<16xf32>
    tpu.vector_store %arg13[%swap3A_89], %swap3A_92 {strides = array<i32>} : memref<640xf32, #tpu.memory_space<vmem>>, vector<16xf32>,
    %swap3A_93 = arith.constant 368 : index
    %swap3A_94 = tpu.vector_load %arg13[%swap3A_93] {strides = array<i32>} : memref<640xf32, #tpu.memory_space<vmem>>, vector<16xf32>,
    %swap3A_95 = vector.shape_cast %swap3A_94 : vector<16xf32> to vector<16xf32>
    %swap3A_96 = vector.shape_cast %broadcast_in_dim3A_1 : vector<16xf32> to vector<16xf32>
    tpu.vector_store %arg13[%swap3A_93], %swap3A_96 {strides = array<i32>} : memref<640xf32, #tpu.memory_space<vmem>>, vector<16xf32>,
    %swap3A_97 = arith.constant 384 : index
    %swap3A_98 = tpu.vector_load %arg13[%swap3A_97] {strides = array<i32>} : memref<640xf32, #tpu.memory_space<vmem>>, vector<16xf32>,
    %swap3A_99 = vector.shape_cast %swap3A_98 : vector<16xf32> to vector<16xf32>
    %swap3A_100 = vector.shape_cast %broadcast_in_dim3A_1 : vector<16xf32> to vector<16xf32>
    tpu.vector_store %arg13[%swap3A_97], %swap3A_100 {strides = array<i32>} : memref<640xf32, #tpu.memory_space<vmem>>, vector<16xf32>,
    %swap3A_101 = arith.constant 400 : index
    %swap3A_102 = tpu.vector_load %arg13[%swap3A_101] {strides = array<i32>} : memref<640xf32, #tpu.memory_space<vmem>>, vector<16xf32>,
    %swap3A_103 = vector.shape_cast %swap3A_102 : vector<16xf32> to vector<16xf32>
    %swap3A_104 = vector.shape_cast %broadcast_in_dim3A_1 : vector<16xf32> to vector<16xf32>
    tpu.vector_store %arg13[%swap3A_101], %swap3A_104 {strides = array<i32>} : memref<640xf32, #tpu.memory_space<vmem>>, vector<16xf32>,
    %swap3A_105 = arith.constant 416 : index
    %swap3A_106 = tpu.vector_load %arg13[%swap3A_105] {strides = array<i32>} : memref<640xf32, #tpu.memory_space<vmem>>, vector<16xf32>,
    %swap3A_107 = vector.shape_cast %swap3A_106 : vector<16xf32> to vector<16xf32>
    %swap3A_108 = vector.shape_cast %broadcast_in_dim3A_1 : vector<16xf32> to vector<16xf32>
    tpu.vector_store %arg13[%swap3A_105], %swap3A_108 {strides = array<i32>} : memref<640xf32, #tpu.memory_space<vmem>>, vector<16xf32>,
    %swap3A_109 = arith.constant 432 : index
    %swap3A_110 = tpu.vector_load %arg13[%swap3A_109] {strides = array<i32>} : memref<640xf32, #tpu.memory_space<vmem>>, vector<16xf32>,
    %swap3A_111 = vector.shape_cast %swap3A_110 : vector<16xf32> to vector<16xf32>
    %swap3A_112 = vector.shape_cast %broadcast_in_dim3A_1 : vector<16xf32> to vector<16xf32>
    tpu.vector_store %arg13[%swap3A_109], %swap3A_112 {strides = array<i32>} : memref<640xf32, #tpu.memory_space<vmem>>, vector<16xf32>,
    %swap3A_113 = arith.constant 448 : index
    %swap3A_114 = tpu.vector_load %arg13[%swap3A_113] {strides = array<i32>} : memref<640xf32, #tpu.memory_space<vmem>>, vector<16xf32>,
    %swap3A_115 = vector.shape_cast %swap3A_114 : vector<16xf32> to vector<16xf32>
    %swap3A_116 = vector.shape_cast %broadcast_in_dim3A_1 : vector<16xf32> to vector<16xf32>
    tpu.vector_store %arg13[%swap3A_113], %swap3A_116 {strides = array<i32>} : memref<640xf32, #tpu.memory_space<vmem>>, vector<16xf32>,
    %swap3A_117 = arith.constant 464 : index
    %swap3A_118 = tpu.vector_load %arg13[%swap3A_117] {strides = array<i32>} : memref<640xf32, #tpu.memory_space<vmem>>, vector<16xf32>,
    %swap3A_119 = vector.shape_cast %swap3A_118 : vector<16xf32> to vector<16xf32>
    %swap3A_120 = vector.shape_cast %broadcast_in_dim3A_1 : vector<16xf32> to vector<16xf32>
    tpu.vector_store %arg13[%swap3A_117], %swap3A_120 {strides = array<i32>} : memref<640xf32, #tpu.memory_space<vmem>>, vector<16xf32>,
    %swap3A_121 = arith.constant 480 : index
    %swap3A_122 = tpu.vector_load %arg13[%swap3A_121] {strides = array<i32>} : memref<640xf32, #tpu.memory_space<vmem>>, vector<16xf32>,
    %swap3A_123 = vector.shape_cast %swap3A_122 : vector<16xf32> to vector<16xf32>
    %swap3A_124 = vector.shape_cast %broadcast_in_dim3A_1 : vector<16xf32> to vector<16xf32>
    tpu.vector_store %arg13[%swap3A_121], %swap3A_124 {strides = array<i32>} : memref<640xf32, #tpu.memory_space<vmem>>, vector<16xf32>,
    %swap3A_125 = arith.constant 496 : index
    %swap3A_126 = tpu.vector_load %arg13[%swap3A_125] {strides = array<i32>} : memref<640xf32, #tpu.memory_space<vmem>>, vector<16xf32>,
    %swap3A_127 = vector.shape_cast %swap3A_126 : vector<16xf32> to vector<16xf32>
    %swap3A_128 = vector.shape_cast %broadcast_in_dim3A_1 : vector<16xf32> to vector<16xf32>
    tpu.vector_store %arg13[%swap3A_125], %swap3A_128 {strides = array<i32>} : memref<640xf32, #tpu.memory_space<vmem>>, vector<16xf32>,
    %swap3A_129 = arith.constant 512 : index
    %swap3A_130 = tpu.vector_load %arg13[%swap3A_129] {strides = array<i32>} : memref<640xf32, #tpu.memory_space<vmem>>, vector<16xf32>,
    %swap3A_131 = vector.shape_cast %swap3A_130 : vector<16xf32> to vector<16xf32>
    %swap3A_132 = vector.shape_cast %broadcast_in_dim3A_1 : vector<16xf32> to vector<16xf32>
    tpu.vector_store %arg13[%swap3A_129], %swap3A_132 {strides = array<i32>} : memref<640xf32, #tpu.memory_space<vmem>>, vector<16xf32>,
    %swap3A_133 = arith.constant 528 : index
    %swap3A_134 = tpu.vector_load %arg13[%swap3A_133] {strides = array<i32>} : memref<640xf32, #tpu.memory_space<vmem>>, vector<16xf32>,
    %swap3A_135 = vector.shape_cast %swap3A_134 : vector<16xf32> to vector<16xf32>
    %swap3A_136 = vector.shape_cast %broadcast_in_dim3A_1 : vector<16xf32> to vector<16xf32>
    tpu.vector_store %arg13[%swap3A_133], %swap3A_136 {strides = array<i32>} : memref<640xf32, #tpu.memory_space<vmem>>, vector<16xf32>,
    %swap3A_137 = arith.constant 544 : index
    %swap3A_138 = tpu.vector_load %arg13[%swap3A_137] {strides = array<i32>} : memref<640xf32, #tpu.memory_space<vmem>>, vector<16xf32>,
    %swap3A_139 = vector.shape_cast %swap3A_138 : vector<16xf32> to vector<16xf32>
    %swap3A_140 = vector.shape_cast %broadcast_in_dim3A_1 : vector<16xf32> to vector<16xf32>
    tpu.vector_store %arg13[%swap3A_137], %swap3A_140 {strides = array<i32>} : memref<640xf32, #tpu.memory_space<vmem>>, vector<16xf32>,
    %swap3A_141 = arith.constant 560 : index
    %swap3A_142 = tpu.vector_load %arg13[%swap3A_141] {strides = array<i32>} : memref<640xf32, #tpu.memory_space<vmem>>, vector<16xf32>,
    %swap3A_143 = vector.shape_cast %swap3A_142 : vector<16xf32> to vector<16xf32>
    %swap3A_144 = vector.shape_cast %broadcast_in_dim3A_1 : vector<16xf32> to vector<16xf32>
    tpu.vector_store %arg13[%swap3A_141], %swap3A_144 {strides = array<i32>} : memref<640xf32, #tpu.memory_space<vmem>>, vector<16xf32>,
    %swap3A_145 = arith.constant 576 : index
    %swap3A_146 = tpu.vector_load %arg13[%swap3A_145] {strides = array<i32>} : memref<640xf32, #tpu.memory_space<vmem>>, vector<16xf32>,
    %swap3A_147 = vector.shape_cast %swap3A_146 : vector<16xf32> to vector<16xf32>
    %swap3A_148 = vector.shape_cast %broadcast_in_dim3A_1 : vector<16xf32> to vector<16xf32>
    tpu.vector_store %arg13[%swap3A_145], %swap3A_148 {strides = array<i32>} : memref<640xf32, #tpu.memory_space<vmem>>, vector<16xf32>,
    %swap3A_149 = arith.constant 592 : index
    %swap3A_150 = tpu.vector_load %arg13[%swap3A_149] {strides = array<i32>} : memref<640xf32, #tpu.memory_space<vmem>>, vector<16xf32>,
    %swap3A_151 = vector.shape_cast %swap3A_150 : vector<16xf32> to vector<16xf32>
    %swap3A_152 = vector.shape_cast %broadcast_in_dim3A_1 : vector<16xf32> to vector<16xf32>
    tpu.vector_store %arg13[%swap3A_149], %swap3A_152 {strides = array<i32>} : memref<640xf32, #tpu.memory_space<vmem>>, vector<16xf32>,
    %swap3A_153 = arith.constant 608 : index
    %swap3A_154 = tpu.vector_load %arg13[%swap3A_153] {strides = array<i32>} : memref<640xf32, #tpu.memory_space<vmem>>, vector<16xf32>,
    %swap3A_155 = vector.shape_cast %swap3A_154 : vector<16xf32> to vector<16xf32>
    %swap3A_156 = vector.shape_cast %broadcast_in_dim3A_1 : vector<16xf32> to vector<16xf32>
    tpu.vector_store %arg13[%swap3A_153], %swap3A_156 {strides = array<i32>} : memref<640xf32, #tpu.memory_space<vmem>>, vector<16xf32>,
    %swap3A_157 = arith.constant 624 : index
    %swap3A_158 = tpu.vector_load %arg13[%swap3A_157] {strides = array<i32>} : memref<640xf32, #tpu.memory_space<vmem>>, vector<16xf32>,
    %swap3A_159 = vector.shape_cast %swap3A_158 : vector<16xf32> to vector<16xf32>
    %swap3A_160 = vector.shape_cast %broadcast_in_dim3A_1 : vector<16xf32> to vector<16xf32>
    tpu.vector_store %arg13[%swap3A_157], %swap3A_160 {strides = array<i32>} : memref<640xf32, #tpu.memory_space<vmem>>, vector<16xf32>,
    "tpu.region"() ({
      %run_scoped3A = tpu.sem_alloc : memref<!tpu.dma_semaphore, #tpu.memory_space<semaphore_mem>>
      %dma_start3A = tpu.memref_slice %arg15[%mul3A_0] : memref<10240xf32, #tpu.memory_space<vmem_shared>> -> memref<640xf32, #tpu.memory_space<vmem_shared>>
      %dma_start3A_215 = tpu.memref_slice %arg15[%mul3A_0] : memref<10240xf32, #tpu.memory_space<vmem_shared>> -> memref<640xf32, #tpu.memory_space<vmem_shared>>
      tpu.enqueue_dma source(%arg13 : memref<640xf32, #tpu.memory_space<vmem>>) target(%dma_start3A_215 : memref<640xf32, #tpu.memory_space<vmem_shared>>) target_semaphore(%run_scoped3A : memref<!tpu.dma_semaphore, #tpu.memory_space<semaphore_mem>>)
      %dma_wait3A = tpu.memref_slice %arg15[%mul3A_0] : memref<10240xf32, #tpu.memory_space<vmem_shared>> -> memref<640xf32, #tpu.memory_space<vmem_shared>>
      %dma_wait3A_216 = tpu.memref_slice %arg15[%mul3A_0] : memref<10240xf32, #tpu.memory_space<vmem_shared>> -> memref<640xf32, #tpu.memory_space<vmem_shared>>
      tpu.wait_dma2 semaphore(%run_scoped3A : memref<!tpu.dma_semaphore, #tpu.memory_space<semaphore_mem>>) src(%arg13 : memref<640xf32, #tpu.memory_space<vmem>>) dst(%dma_wait3A_216 : memref<640xf32, #tpu.memory_space<vmem_shared>>)
      tpu.yield
    }) : () -> ()
    %broadcast_in_dim3A_161 = arith.constant 1.000000e+00 : f32
    %broadcast_in_dim3A_162 = vector.broadcast %broadcast_in_dim3A_161 : f32 to vector<16xf32>
    %swap3A_163 = arith.constant 0 : index
    %swap3A_164 = tpu.vector_load %arg12[%swap3A_163] {strides = array<i32>} : memref<128xf32, #tpu.memory_space<vmem>>, vector<16xf32>,
    %swap3A_165 = vector.shape_cast %swap3A_164 : vector<16xf32> to vector<16xf32>
    %swap3A_166 = vector.shape_cast %broadcast_in_dim3A_162 : vector<16xf32> to vector<16xf32>
    tpu.vector_store %arg12[%swap3A_163], %swap3A_166 {strides = array<i32>} : memref<128xf32, #tpu.memory_space<vmem>>, vector<16xf32>,
    %swap3A_167 = arith.constant 16 : index
    %swap3A_168 = tpu.vector_load %arg12[%swap3A_167] {strides = array<i32>} : memref<128xf32, #tpu.memory_space<vmem>>, vector<16xf32>,
    %swap3A_169 = vector.shape_cast %swap3A_168 : vector<16xf32> to vector<16xf32>
    %swap3A_170 = vector.shape_cast %broadcast_in_dim3A_162 : vector<16xf32> to vector<16xf32>
    tpu.vector_store %arg12[%swap3A_167], %swap3A_170 {strides = array<i32>} : memref<128xf32, #tpu.memory_space<vmem>>, vector<16xf32>,
    %swap3A_171 = arith.constant 32 : index
    %swap3A_172 = tpu.vector_load %arg12[%swap3A_171] {strides = array<i32>} : memref<128xf32, #tpu.memory_space<vmem>>, vector<16xf32>,
    %swap3A_173 = vector.shape_cast %swap3A_172 : vector<16xf32> to vector<16xf32>
    %swap3A_174 = vector.shape_cast %broadcast_in_dim3A_162 : vector<16xf32> to vector<16xf32>
    tpu.vector_store %arg12[%swap3A_171], %swap3A_174 {strides = array<i32>} : memref<128xf32, #tpu.memory_space<vmem>>, vector<16xf32>,
    %swap3A_175 = arith.constant 48 : index
    %swap3A_176 = tpu.vector_load %arg12[%swap3A_175] {strides = array<i32>} : memref<128xf32, #tpu.memory_space<vmem>>, vector<16xf32>,
    %swap3A_177 = vector.shape_cast %swap3A_176 : vector<16xf32> to vector<16xf32>
    %swap3A_178 = vector.shape_cast %broadcast_in_dim3A_162 : vector<16xf32> to vector<16xf32>
    tpu.vector_store %arg12[%swap3A_175], %swap3A_178 {strides = array<i32>} : memref<128xf32, #tpu.memory_space<vmem>>, vector<16xf32>,
    %swap3A_179 = arith.constant 64 : index
    %swap3A_180 = tpu.vector_load %arg12[%swap3A_179] {strides = array<i32>} : memref<128xf32, #tpu.memory_space<vmem>>, vector<16xf32>,
    %swap3A_181 = vector.shape_cast %swap3A_180 : vector<16xf32> to vector<16xf32>
    %swap3A_182 = vector.shape_cast %broadcast_in_dim3A_162 : vector<16xf32> to vector<16xf32>
    tpu.vector_store %arg12[%swap3A_179], %swap3A_182 {strides = array<i32>} : memref<128xf32, #tpu.memory_space<vmem>>, vector<16xf32>,
    %swap3A_183 = arith.constant 80 : index
    %swap3A_184 = tpu.vector_load %arg12[%swap3A_183] {strides = array<i32>} : memref<128xf32, #tpu.memory_space<vmem>>, vector<16xf32>,
    %swap3A_185 = vector.shape_cast %swap3A_184 : vector<16xf32> to vector<16xf32>
    %swap3A_186 = vector.shape_cast %broadcast_in_dim3A_162 : vector<16xf32> to vector<16xf32>
    tpu.vector_store %arg12[%swap3A_183], %swap3A_186 {strides = array<i32>} : memref<128xf32, #tpu.memory_space<vmem>>, vector<16xf32>,
    %swap3A_187 = arith.constant 96 : index
    %swap3A_188 = tpu.vector_load %arg12[%swap3A_187] {strides = array<i32>} : memref<128xf32, #tpu.memory_space<vmem>>, vector<16xf32>,
    %swap3A_189 = vector.shape_cast %swap3A_188 : vector<16xf32> to vector<16xf32>
    %swap3A_190 = vector.shape_cast %broadcast_in_dim3A_162 : vector<16xf32> to vector<16xf32>
    tpu.vector_store %arg12[%swap3A_187], %swap3A_190 {strides = array<i32>} : memref<128xf32, #tpu.memory_space<vmem>>, vector<16xf32>,
    %swap3A_191 = arith.constant 112 : index
    %swap3A_192 = tpu.vector_load %arg12[%swap3A_191] {strides = array<i32>} : memref<128xf32, #tpu.memory_space<vmem>>, vector<16xf32>,
    %swap3A_193 = vector.shape_cast %swap3A_192 : vector<16xf32> to vector<16xf32>
    %swap3A_194 = vector.shape_cast %broadcast_in_dim3A_162 : vector<16xf32> to vector<16xf32>
    tpu.vector_store %arg12[%swap3A_191], %swap3A_194 {strides = array<i32>} : memref<128xf32, #tpu.memory_space<vmem>>, vector<16xf32>,
    %barrier3A = arith.constant 0 : index
    tpu.barrier barrier_id(%barrier3A)
    %eq3A = arith.constant 1 : i32
    %eq3A_195 = arith.cmpi eq, %arg0, %eq3A : i32
    %jit3A = arith.constant 3 : i32
    %jit3A_196 = arith.constant 1 : i32
    %select_n3A = arith.select %eq3A_195, %jit3A, %jit3A_196 : i32
    %eq3A_197 = arith.constant 1 : i32
    %eq3A_198 = arith.cmpi eq, %arg0, %eq3A_197 : i32
    %mul3A_199 = arith.constant 3 : i32
    %mul3A_200 = arith.muli %arg1, %mul3A_199 : i32
    %mul3A_201 = arith.constant 1 : i32
    %mul3A_202 = arith.muli %arg1, %mul3A_201 : i32
    %add3A = arith.constant 48 : i32
    %add3A_203 = arith.addi %add3A, %mul3A_202 : i32
    %select_n3A_204 = arith.select %eq3A_198, %mul3A_200, %add3A_203 : i32
    %while3A = arith.constant 0 : i32
    %while3A_205 = arith.constant 0 : i32
    %while3A_206 = arith.subi %select_n3A, %while3A_205 : i32
    %while3A_207 = arith.addi %while3A_205, %while3A_206 : i32
    %while3A_208 = arith.constant 1 : i32
    %while3A_209 = arith.divsi %while3A_206, %while3A_208 : i32
    %while3A_210 = arith.muli %while3A_209, %while3A_208 : i32
    %while3A_211 = arith.addi %while3A_205, %while3A_210 : i32
    %while3A_212 = arith.constant 1 : i32
    scf.for %while3A_215 = %while3A_205 to %while3A_211 step %while3A_212  : i32 {
      %add3A_216 = arith.addi %select_n3A_204, %while3A_215 : i32
      "tpu.region"() ({
        %run_scoped3A = tpu.sem_alloc : memref<!tpu.dma_semaphore, #tpu.memory_space<semaphore_mem>>
        %dma_start3A_229 = arith.constant 0 : i32
        %dma_start3A_230 = arith.constant 0 : i32
        %dma_start3A_231 = tpu.memref_slice %arg3[%add3A_216, %dma_start3A_229, %dma_start3A_230] : memref<64x40x128xi32, #tpu.memory_space<hbm>> -> memref<1x40x128xi32, #tpu.memory_space<hbm>>
        %dma_start3A_232 = tpu.memref_squeeze %dma_start3A_231 : memref<1x40x128xi32, #tpu.memory_space<hbm>> -> memref<40x128xi32, #tpu.memory_space<hbm>>
        %dma_start3A_233 = arith.constant 0 : i32
        %dma_start3A_234 = arith.constant 0 : i32
        %dma_start3A_235 = tpu.memref_slice %arg3[%add3A_216, %dma_start3A_233, %dma_start3A_234] : memref<64x40x128xi32, #tpu.memory_space<hbm>> -> memref<1x40x128xi32, #tpu.memory_space<hbm>>
        %dma_start3A_236 = tpu.memref_squeeze %dma_start3A_235 : memref<1x40x128xi32, #tpu.memory_space<hbm>> -> memref<40x128xi32, #tpu.memory_space<hbm>>
        tpu.enqueue_dma source(%dma_start3A_236 : memref<40x128xi32, #tpu.memory_space<hbm>>) target(%arg8 : memref<40x128xi32, #tpu.memory_space<vmem>>) target_semaphore(%run_scoped3A : memref<!tpu.dma_semaphore, #tpu.memory_space<semaphore_mem>>)
        %dma_wait3A = arith.constant 0 : i32
        %dma_wait3A_237 = arith.constant 0 : i32
        %dma_wait3A_238 = tpu.memref_slice %arg3[%add3A_216, %dma_wait3A, %dma_wait3A_237] : memref<64x40x128xi32, #tpu.memory_space<hbm>> -> memref<1x40x128xi32, #tpu.memory_space<hbm>>
        %dma_wait3A_239 = tpu.memref_squeeze %dma_wait3A_238 : memref<1x40x128xi32, #tpu.memory_space<hbm>> -> memref<40x128xi32, #tpu.memory_space<hbm>>
        %dma_wait3A_240 = arith.constant 0 : i32
        %dma_wait3A_241 = arith.constant 0 : i32
        %dma_wait3A_242 = tpu.memref_slice %arg3[%add3A_216, %dma_wait3A_240, %dma_wait3A_241] : memref<64x40x128xi32, #tpu.memory_space<hbm>> -> memref<1x40x128xi32, #tpu.memory_space<hbm>>
        %dma_wait3A_243 = tpu.memref_squeeze %dma_wait3A_242 : memref<1x40x128xi32, #tpu.memory_space<hbm>> -> memref<40x128xi32, #tpu.memory_space<hbm>>
        tpu.wait_dma2 semaphore(%run_scoped3A : memref<!tpu.dma_semaphore, #tpu.memory_space<semaphore_mem>>) src(%dma_wait3A_243 : memref<40x128xi32, #tpu.memory_space<hbm>>) dst(%arg8 : memref<40x128xi32, #tpu.memory_space<vmem>>)
        tpu.yield
      }) : () -> ()
      %add3A_217 = arith.addi %select_n3A_204, %while3A_215 : i32
      "tpu.region"() ({
        %run_scoped3A = tpu.sem_alloc : memref<!tpu.dma_semaphore, #tpu.memory_space<semaphore_mem>>
        %dma_start3A_229 = arith.constant 0 : i32
        %dma_start3A_230 = arith.constant 0 : i32
        %dma_start3A_231 = tpu.memref_slice %arg4[%add3A_217, %dma_start3A_229, %dma_start3A_230] : memref<64x40x128xi32, #tpu.memory_space<hbm>> -> memref<1x40x128xi32, #tpu.memory_space<hbm>>
        %dma_start3A_232 = tpu.memref_squeeze %dma_start3A_231 : memref<1x40x128xi32, #tpu.memory_space<hbm>> -> memref<40x128xi32, #tpu.memory_space<hbm>>
        %dma_start3A_233 = arith.constant 0 : i32
        %dma_start3A_234 = arith.constant 0 : i32
        %dma_start3A_235 = tpu.memref_slice %arg4[%add3A_217, %dma_start3A_233, %dma_start3A_234] : memref<64x40x128xi32, #tpu.memory_space<hbm>> -> memref<1x40x128xi32, #tpu.memory_space<hbm>>
        %dma_start3A_236 = tpu.memref_squeeze %dma_start3A_235 : memref<1x40x128xi32, #tpu.memory_space<hbm>> -> memref<40x128xi32, #tpu.memory_space<hbm>>
        tpu.enqueue_dma source(%dma_start3A_236 : memref<40x128xi32, #tpu.memory_space<hbm>>) target(%arg9 : memref<40x128xi32, #tpu.memory_space<vmem>>) target_semaphore(%run_scoped3A : memref<!tpu.dma_semaphore, #tpu.memory_space<semaphore_mem>>)
        %dma_wait3A = arith.constant 0 : i32
        %dma_wait3A_237 = arith.constant 0 : i32
        %dma_wait3A_238 = tpu.memref_slice %arg4[%add3A_217, %dma_wait3A, %dma_wait3A_237] : memref<64x40x128xi32, #tpu.memory_space<hbm>> -> memref<1x40x128xi32, #tpu.memory_space<hbm>>
        %dma_wait3A_239 = tpu.memref_squeeze %dma_wait3A_238 : memref<1x40x128xi32, #tpu.memory_space<hbm>> -> memref<40x128xi32, #tpu.memory_space<hbm>>
        %dma_wait3A_240 = arith.constant 0 : i32
        %dma_wait3A_241 = arith.constant 0 : i32
        %dma_wait3A_242 = tpu.memref_slice %arg4[%add3A_217, %dma_wait3A_240, %dma_wait3A_241] : memref<64x40x128xi32, #tpu.memory_space<hbm>> -> memref<1x40x128xi32, #tpu.memory_space<hbm>>
        %dma_wait3A_243 = tpu.memref_squeeze %dma_wait3A_242 : memref<1x40x128xi32, #tpu.memory_space<hbm>> -> memref<40x128xi32, #tpu.memory_space<hbm>>
        tpu.wait_dma2 semaphore(%run_scoped3A : memref<!tpu.dma_semaphore, #tpu.memory_space<semaphore_mem>>) src(%dma_wait3A_243 : memref<40x128xi32, #tpu.memory_space<hbm>>) dst(%arg9 : memref<40x128xi32, #tpu.memory_space<vmem>>)
        tpu.yield
      }) : () -> ()
      %dma_start3A = arith.constant 0 : i32
      %dma_start3A_218 = arith.constant 0 : i32
      %dma_start3A_219 = tpu.memref_slice %arg8[%dma_start3A, %dma_start3A_218] : memref<40x128xi32, #tpu.memory_space<vmem>> -> memref<1x128xi32, #tpu.memory_space<vmem>>
      %dma_start3A_220 = tpu.memref_squeeze %dma_start3A_219 : memref<1x128xi32, #tpu.memory_space<vmem>> -> memref<128xi32, #tpu.memory_space<vmem>>
      %dma_start3A_221 = arith.constant 0 : i32
      %dma_start3A_222 = arith.constant 0 : i32
      %dma_start3A_223 = tpu.memref_slice %arg2[%dma_start3A_221, %dma_start3A_222] : memref<10000x128xf32, #tpu.memory_space<hbm>> -> memref<10000x128xf32, #tpu.memory_space<hbm>>
      tpu.enqueue_indirect_dma source(%dma_start3A_223 : memref<10000x128xf32, #tpu.memory_space<hbm>>) target(%arg10 : memref<128x128xf32, #tpu.memory_space<vmem>>) offsets(%dma_start3A_220 : memref<128xi32, #tpu.memory_space<vmem>>) semaphore(%arg16 : memref<!tpu.dma_semaphore, #tpu.memory_space<semaphore_mem>>)
      %scan3A = arith.constant 0 : i32
      %scan3A_224 = arith.constant 0 : i32
      %scan3A_225 = arith.constant 20 : i32
      %scan3A_226 = arith.addi %scan3A_224, %scan3A_225 : i32
      %scan3A_227 = arith.constant 1 : i32
      scf.for %scan3A_229 = %scan3A_224 to %scan3A_226 step %scan3A_227  : i32 {
        %mul3A_230 = arith.constant 2 : i32
        %mul3A_231 = arith.muli %mul3A_230, %scan3A_229 : i32
        %add3A_232 = arith.constant 1 : i32
        %add3A_233 = arith.addi %mul3A_231, %add3A_232 : i32
        %dma_start3A_234 = arith.constant 0 : i32
        %dma_start3A_235 = tpu.memref_slice %arg8[%add3A_233, %dma_start3A_234] : memref<40x128xi32, #tpu.memory_space<vmem>> -> memref<1x128xi32, #tpu.memory_space<vmem>>
        %dma_start3A_236 = tpu.memref_squeeze %dma_start3A_235 : memref<1x128xi32, #tpu.memory_space<vmem>> -> memref<128xi32, #tpu.memory_space<vmem>>
        %dma_start3A_237 = arith.constant 0 : i32
        %dma_start3A_238 = arith.constant 0 : i32
        %dma_start3A_239 = tpu.memref_slice %arg2[%dma_start3A_237, %dma_start3A_238] : memref<10000x128xf32, #tpu.memory_space<hbm>> -> memref<10000x128xf32, #tpu.memory_space<hbm>>
        tpu.enqueue_indirect_dma source(%dma_start3A_239 : memref<10000x128xf32, #tpu.memory_space<hbm>>) target(%arg11 : memref<128x128xf32, #tpu.memory_space<vmem>>) offsets(%dma_start3A_236 : memref<128xi32, #tpu.memory_space<vmem>>) semaphore(%arg17 : memref<!tpu.dma_semaphore, #tpu.memory_space<semaphore_mem>>)
        %dma_wait3A = arith.constant 0 : i32
        %dma_wait3A_240 = tpu.memref_slice %arg8[%mul3A_231, %dma_wait3A] : memref<40x128xi32, #tpu.memory_space<vmem>> -> memref<1x128xi32, #tpu.memory_space<vmem>>
        %dma_wait3A_241 = tpu.memref_squeeze %dma_wait3A_240 : memref<1x128xi32, #tpu.memory_space<vmem>> -> memref<128xi32, #tpu.memory_space<vmem>>
        %dma_wait3A_242 = arith.constant 0 : i32
        %dma_wait3A_243 = arith.constant 0 : i32
        %dma_wait3A_244 = tpu.memref_slice %arg2[%dma_wait3A_242, %dma_wait3A_243] : memref<10000x128xf32, #tpu.memory_space<hbm>> -> memref<10000x128xf32, #tpu.memory_space<hbm>>
        tpu.wait_indirect_dma semaphore(%arg16 : memref<!tpu.dma_semaphore, #tpu.memory_space<semaphore_mem>>) src(%dma_wait3A_244 : memref<10000x128xf32, #tpu.memory_space<hbm>>) dst(%arg10 : memref<128x128xf32, #tpu.memory_space<vmem>>)
        "tpu.region"() ({
          %run_scoped3A = tpu.sem_alloc : memref<!tpu.dma_semaphore, #tpu.memory_space<semaphore_mem>>
          %dma_start3A_255 = arith.constant 0 : i32
          %dma_start3A_256 = tpu.memref_slice %arg9[%mul3A_231, %dma_start3A_255] : memref<40x128xi32, #tpu.memory_space<vmem>> -> memref<1x128xi32, #tpu.memory_space<vmem>>
          %dma_start3A_257 = tpu.memref_squeeze %dma_start3A_256 : memref<1x128xi32, #tpu.memory_space<vmem>> -> memref<128xi32, #tpu.memory_space<vmem>>
          %dma_start3A_258 = arith.constant 0 : i32
          %dma_start3A_259 = arith.constant 0 : i32
          %dma_start3A_260 = tpu.memref_slice %arg14[%dma_start3A_258, %dma_start3A_259] : memref<10240x128xf32, #tpu.memory_space<vmem_shared>> -> memref<10240x128xf32, #tpu.memory_space<vmem_shared>>
          tpu.enqueue_indirect_dma source(%arg10 : memref<128x128xf32, #tpu.memory_space<vmem>>) target(%dma_start3A_260 : memref<10240x128xf32, #tpu.memory_space<vmem_shared>>) offsets(%dma_start3A_257 : memref<128xi32, #tpu.memory_space<vmem>>) semaphore(%run_scoped3A : memref<!tpu.dma_semaphore, #tpu.memory_space<semaphore_mem>>) {add = true}
          %dma_wait3A_261 = arith.constant 0 : i32
          %dma_wait3A_262 = tpu.memref_slice %arg9[%mul3A_231, %dma_wait3A_261] : memref<40x128xi32, #tpu.memory_space<vmem>> -> memref<1x128xi32, #tpu.memory_space<vmem>>
          %dma_wait3A_263 = tpu.memref_squeeze %dma_wait3A_262 : memref<1x128xi32, #tpu.memory_space<vmem>> -> memref<128xi32, #tpu.memory_space<vmem>>
          %dma_wait3A_264 = arith.constant 0 : i32
          %dma_wait3A_265 = arith.constant 0 : i32
          %dma_wait3A_266 = tpu.memref_slice %arg14[%dma_wait3A_264, %dma_wait3A_265] : memref<10240x128xf32, #tpu.memory_space<vmem_shared>> -> memref<10240x128xf32, #tpu.memory_space<vmem_shared>>
          tpu.wait_indirect_dma semaphore(%run_scoped3A : memref<!tpu.dma_semaphore, #tpu.memory_space<semaphore_mem>>) src(%arg10 : memref<128x128xf32, #tpu.memory_space<vmem>>) dst(%dma_wait3A_266 : memref<10240x128xf32, #tpu.memory_space<vmem_shared>>)
          tpu.yield
        }) : () -> ()
        "tpu.region"() ({
          %run_scoped3A = tpu.sem_alloc : memref<!tpu.dma_semaphore, #tpu.memory_space<semaphore_mem>>
          %dma_start3A_255 = arith.constant 0 : i32
          %dma_start3A_256 = tpu.memref_slice %arg9[%mul3A_231, %dma_start3A_255] : memref<40x128xi32, #tpu.memory_space<vmem>> -> memref<1x128xi32, #tpu.memory_space<vmem>>
          %dma_start3A_257 = tpu.memref_squeeze %dma_start3A_256 : memref<1x128xi32, #tpu.memory_space<vmem>> -> memref<128xi32, #tpu.memory_space<vmem>>
          %dma_start3A_258 = arith.constant 0 : i32
          %dma_start3A_259 = tpu.memref_slice %arg15[%dma_start3A_258] : memref<10240xf32, #tpu.memory_space<vmem_shared>> -> memref<10240xf32, #tpu.memory_space<vmem_shared>>
          tpu.enqueue_indirect_dma source(%arg12 : memref<128xf32, #tpu.memory_space<vmem>>) target(%dma_start3A_259 : memref<10240xf32, #tpu.memory_space<vmem_shared>>) offsets(%dma_start3A_257 : memref<128xi32, #tpu.memory_space<vmem>>) semaphore(%run_scoped3A : memref<!tpu.dma_semaphore, #tpu.memory_space<semaphore_mem>>) {add = true}
          %dma_wait3A_260 = arith.constant 0 : i32
          %dma_wait3A_261 = tpu.memref_slice %arg9[%mul3A_231, %dma_wait3A_260] : memref<40x128xi32, #tpu.memory_space<vmem>> -> memref<1x128xi32, #tpu.memory_space<vmem>>
          %dma_wait3A_262 = tpu.memref_squeeze %dma_wait3A_261 : memref<1x128xi32, #tpu.memory_space<vmem>> -> memref<128xi32, #tpu.memory_space<vmem>>
          %dma_wait3A_263 = arith.constant 0 : i32
          %dma_wait3A_264 = tpu.memref_slice %arg15[%dma_wait3A_263] : memref<10240xf32, #tpu.memory_space<vmem_shared>> -> memref<10240xf32, #tpu.memory_space<vmem_shared>>
          tpu.wait_indirect_dma semaphore(%run_scoped3A : memref<!tpu.dma_semaphore, #tpu.memory_space<semaphore_mem>>) src(%arg12 : memref<128xf32, #tpu.memory_space<vmem>>) dst(%dma_wait3A_264 : memref<10240xf32, #tpu.memory_space<vmem_shared>>)
          tpu.yield
        }) : () -> ()
        %lt3A = arith.constant 19 : i32
        %lt3A_245 = arith.cmpi slt, %scan3A_229, %lt3A : i32
        %convert_element_type3A = arith.extui %lt3A_245 : i1 to i32
        %cond3A = arith.constant 0 : i32
        %cond3A_246 = arith.cmpi ne, %convert_element_type3A, %cond3A : i32
        scf.if %cond3A_246 {
          %add3A_255 = arith.constant 2 : i32
          %add3A_256 = arith.addi %mul3A_231, %add3A_255 : i32
          %dma_start3A_257 = arith.constant 0 : i32
          %dma_start3A_258 = tpu.memref_slice %arg8[%add3A_256, %dma_start3A_257] : memref<40x128xi32, #tpu.memory_space<vmem>> -> memref<1x128xi32, #tpu.memory_space<vmem>>
          %dma_start3A_259 = tpu.memref_squeeze %dma_start3A_258 : memref<1x128xi32, #tpu.memory_space<vmem>> -> memref<128xi32, #tpu.memory_space<vmem>>
          %dma_start3A_260 = arith.constant 0 : i32
          %dma_start3A_261 = arith.constant 0 : i32
          %dma_start3A_262 = tpu.memref_slice %arg2[%dma_start3A_260, %dma_start3A_261] : memref<10000x128xf32, #tpu.memory_space<hbm>> -> memref<10000x128xf32, #tpu.memory_space<hbm>>
          tpu.enqueue_indirect_dma source(%dma_start3A_262 : memref<10000x128xf32, #tpu.memory_space<hbm>>) target(%arg10 : memref<128x128xf32, #tpu.memory_space<vmem>>) offsets(%dma_start3A_259 : memref<128xi32, #tpu.memory_space<vmem>>) semaphore(%arg16 : memref<!tpu.dma_semaphore, #tpu.memory_space<semaphore_mem>>)
        } else {
        }
        %add3A_247 = arith.constant 1 : i32
        %add3A_248 = arith.addi %mul3A_231, %add3A_247 : i32
        %dma_wait3A_249 = arith.constant 0 : i32
        %dma_wait3A_250 = tpu.memref_slice %arg8[%add3A_248, %dma_wait3A_249] : memref<40x128xi32, #tpu.memory_space<vmem>> -> memref<1x128xi32, #tpu.memory_space<vmem>>
        %dma_wait3A_251 = tpu.memref_squeeze %dma_wait3A_250 : memref<1x128xi32, #tpu.memory_space<vmem>> -> memref<128xi32, #tpu.memory_space<vmem>>
        %dma_wait3A_252 = arith.constant 0 : i32
        %dma_wait3A_253 = arith.constant 0 : i32
        %dma_wait3A_254 = tpu.memref_slice %arg2[%dma_wait3A_252, %dma_wait3A_253] : memref<10000x128xf32, #tpu.memory_space<hbm>> -> memref<10000x128xf32, #tpu.memory_space<hbm>>
        tpu.wait_indirect_dma semaphore(%arg17 : memref<!tpu.dma_semaphore, #tpu.memory_space<semaphore_mem>>) src(%dma_wait3A_254 : memref<10000x128xf32, #tpu.memory_space<hbm>>) dst(%arg11 : memref<128x128xf32, #tpu.memory_space<vmem>>)
        "tpu.region"() ({
          %run_scoped3A = tpu.sem_alloc : memref<!tpu.dma_semaphore, #tpu.memory_space<semaphore_mem>>
          %dma_start3A_255 = arith.constant 0 : i32
          %dma_start3A_256 = tpu.memref_slice %arg9[%add3A_248, %dma_start3A_255] : memref<40x128xi32, #tpu.memory_space<vmem>> -> memref<1x128xi32, #tpu.memory_space<vmem>>
          %dma_start3A_257 = tpu.memref_squeeze %dma_start3A_256 : memref<1x128xi32, #tpu.memory_space<vmem>> -> memref<128xi32, #tpu.memory_space<vmem>>
          %dma_start3A_258 = arith.constant 0 : i32
          %dma_start3A_259 = arith.constant 0 : i32
          %dma_start3A_260 = tpu.memref_slice %arg14[%dma_start3A_258, %dma_start3A_259] : memref<10240x128xf32, #tpu.memory_space<vmem_shared>> -> memref<10240x128xf32, #tpu.memory_space<vmem_shared>>
          tpu.enqueue_indirect_dma source(%arg11 : memref<128x128xf32, #tpu.memory_space<vmem>>) target(%dma_start3A_260 : memref<10240x128xf32, #tpu.memory_space<vmem_shared>>) offsets(%dma_start3A_257 : memref<128xi32, #tpu.memory_space<vmem>>) semaphore(%run_scoped3A : memref<!tpu.dma_semaphore, #tpu.memory_space<semaphore_mem>>) {add = true}
          %dma_wait3A_261 = arith.constant 0 : i32
          %dma_wait3A_262 = tpu.memref_slice %arg9[%add3A_248, %dma_wait3A_261] : memref<40x128xi32, #tpu.memory_space<vmem>> -> memref<1x128xi32, #tpu.memory_space<vmem>>
          %dma_wait3A_263 = tpu.memref_squeeze %dma_wait3A_262 : memref<1x128xi32, #tpu.memory_space<vmem>> -> memref<128xi32, #tpu.memory_space<vmem>>
          %dma_wait3A_264 = arith.constant 0 : i32
          %dma_wait3A_265 = arith.constant 0 : i32
          %dma_wait3A_266 = tpu.memref_slice %arg14[%dma_wait3A_264, %dma_wait3A_265] : memref<10240x128xf32, #tpu.memory_space<vmem_shared>> -> memref<10240x128xf32, #tpu.memory_space<vmem_shared>>
          tpu.wait_indirect_dma semaphore(%run_scoped3A : memref<!tpu.dma_semaphore, #tpu.memory_space<semaphore_mem>>) src(%arg11 : memref<128x128xf32, #tpu.memory_space<vmem>>) dst(%dma_wait3A_266 : memref<10240x128xf32, #tpu.memory_space<vmem_shared>>)
          tpu.yield
        }) : () -> ()
        "tpu.region"() ({
          %run_scoped3A = tpu.sem_alloc : memref<!tpu.dma_semaphore, #tpu.memory_space<semaphore_mem>>
          %dma_start3A_255 = arith.constant 0 : i32
          %dma_start3A_256 = tpu.memref_slice %arg9[%add3A_248, %dma_start3A_255] : memref<40x128xi32, #tpu.memory_space<vmem>> -> memref<1x128xi32, #tpu.memory_space<vmem>>
          %dma_start3A_257 = tpu.memref_squeeze %dma_start3A_256 : memref<1x128xi32, #tpu.memory_space<vmem>> -> memref<128xi32, #tpu.memory_space<vmem>>
          %dma_start3A_258 = arith.constant 0 : i32
          %dma_start3A_259 = tpu.memref_slice %arg15[%dma_start3A_258] : memref<10240xf32, #tpu.memory_space<vmem_shared>> -> memref<10240xf32, #tpu.memory_space<vmem_shared>>
          tpu.enqueue_indirect_dma source(%arg12 : memref<128xf32, #tpu.memory_space<vmem>>) target(%dma_start3A_259 : memref<10240xf32, #tpu.memory_space<vmem_shared>>) offsets(%dma_start3A_257 : memref<128xi32, #tpu.memory_space<vmem>>) semaphore(%run_scoped3A : memref<!tpu.dma_semaphore, #tpu.memory_space<semaphore_mem>>) {add = true}
          %dma_wait3A_260 = arith.constant 0 : i32
          %dma_wait3A_261 = tpu.memref_slice %arg9[%add3A_248, %dma_wait3A_260] : memref<40x128xi32, #tpu.memory_space<vmem>> -> memref<1x128xi32, #tpu.memory_space<vmem>>
          %dma_wait3A_262 = tpu.memref_squeeze %dma_wait3A_261 : memref<1x128xi32, #tpu.memory_space<vmem>> -> memref<128xi32, #tpu.memory_space<vmem>>
          %dma_wait3A_263 = arith.constant 0 : i32
          %dma_wait3A_264 = tpu.memref_slice %arg15[%dma_wait3A_263] : memref<10240xf32, #tpu.memory_space<vmem_shared>> -> memref<10240xf32, #tpu.memory_space<vmem_shared>>
          tpu.wait_indirect_dma semaphore(%run_scoped3A : memref<!tpu.dma_semaphore, #tpu.memory_space<semaphore_mem>>) src(%arg12 : memref<128xf32, #tpu.memory_space<vmem>>) dst(%dma_wait3A_264 : memref<10240xf32, #tpu.memory_space<vmem_shared>>)
          tpu.yield
        }) : () -> ()
      }
      %scan3A_228 = arith.constant 20 : i32
    }
    %while3A_213 = arith.constant 1 : i32
    scf.for %while3A_215 = %while3A_211 to %while3A_207 step %while3A_213  : i32 {
      %add3A_216 = arith.addi %select_n3A_204, %while3A_215 : i32
      "tpu.region"() ({
        %run_scoped3A = tpu.sem_alloc : memref<!tpu.dma_semaphore, #tpu.memory_space<semaphore_mem>>
        %dma_start3A_229 = arith.constant 0 : i32
        %dma_start3A_230 = arith.constant 0 : i32
        %dma_start3A_231 = tpu.memref_slice %arg3[%add3A_216, %dma_start3A_229, %dma_start3A_230] : memref<64x40x128xi32, #tpu.memory_space<hbm>> -> memref<1x40x128xi32, #tpu.memory_space<hbm>>
        %dma_start3A_232 = tpu.memref_squeeze %dma_start3A_231 : memref<1x40x128xi32, #tpu.memory_space<hbm>> -> memref<40x128xi32, #tpu.memory_space<hbm>>
        %dma_start3A_233 = arith.constant 0 : i32
        %dma_start3A_234 = arith.constant 0 : i32
        %dma_start3A_235 = tpu.memref_slice %arg3[%add3A_216, %dma_start3A_233, %dma_start3A_234] : memref<64x40x128xi32, #tpu.memory_space<hbm>> -> memref<1x40x128xi32, #tpu.memory_space<hbm>>
        %dma_start3A_236 = tpu.memref_squeeze %dma_start3A_235 : memref<1x40x128xi32, #tpu.memory_space<hbm>> -> memref<40x128xi32, #tpu.memory_space<hbm>>
        tpu.enqueue_dma source(%dma_start3A_236 : memref<40x128xi32, #tpu.memory_space<hbm>>) target(%arg8 : memref<40x128xi32, #tpu.memory_space<vmem>>) target_semaphore(%run_scoped3A : memref<!tpu.dma_semaphore, #tpu.memory_space<semaphore_mem>>)
        %dma_wait3A = arith.constant 0 : i32
        %dma_wait3A_237 = arith.constant 0 : i32
        %dma_wait3A_238 = tpu.memref_slice %arg3[%add3A_216, %dma_wait3A, %dma_wait3A_237] : memref<64x40x128xi32, #tpu.memory_space<hbm>> -> memref<1x40x128xi32, #tpu.memory_space<hbm>>
        %dma_wait3A_239 = tpu.memref_squeeze %dma_wait3A_238 : memref<1x40x128xi32, #tpu.memory_space<hbm>> -> memref<40x128xi32, #tpu.memory_space<hbm>>
        %dma_wait3A_240 = arith.constant 0 : i32
        %dma_wait3A_241 = arith.constant 0 : i32
        %dma_wait3A_242 = tpu.memref_slice %arg3[%add3A_216, %dma_wait3A_240, %dma_wait3A_241] : memref<64x40x128xi32, #tpu.memory_space<hbm>> -> memref<1x40x128xi32, #tpu.memory_space<hbm>>
        %dma_wait3A_243 = tpu.memref_squeeze %dma_wait3A_242 : memref<1x40x128xi32, #tpu.memory_space<hbm>> -> memref<40x128xi32, #tpu.memory_space<hbm>>
        tpu.wait_dma2 semaphore(%run_scoped3A : memref<!tpu.dma_semaphore, #tpu.memory_space<semaphore_mem>>) src(%dma_wait3A_243 : memref<40x128xi32, #tpu.memory_space<hbm>>) dst(%arg8 : memref<40x128xi32, #tpu.memory_space<vmem>>)
        tpu.yield
      }) : () -> ()
      %add3A_217 = arith.addi %select_n3A_204, %while3A_215 : i32
      "tpu.region"() ({
        %run_scoped3A = tpu.sem_alloc : memref<!tpu.dma_semaphore, #tpu.memory_space<semaphore_mem>>
        %dma_start3A_229 = arith.constant 0 : i32
        %dma_start3A_230 = arith.constant 0 : i32
        %dma_start3A_231 = tpu.memref_slice %arg4[%add3A_217, %dma_start3A_229, %dma_start3A_230] : memref<64x40x128xi32, #tpu.memory_space<hbm>> -> memref<1x40x128xi32, #tpu.memory_space<hbm>>
        %dma_start3A_232 = tpu.memref_squeeze %dma_start3A_231 : memref<1x40x128xi32, #tpu.memory_space<hbm>> -> memref<40x128xi32, #tpu.memory_space<hbm>>
        %dma_start3A_233 = arith.constant 0 : i32
        %dma_start3A_234 = arith.constant 0 : i32
        %dma_start3A_235 = tpu.memref_slice %arg4[%add3A_217, %dma_start3A_233, %dma_start3A_234] : memref<64x40x128xi32, #tpu.memory_space<hbm>> -> memref<1x40x128xi32, #tpu.memory_space<hbm>>
        %dma_start3A_236 = tpu.memref_squeeze %dma_start3A_235 : memref<1x40x128xi32, #tpu.memory_space<hbm>> -> memref<40x128xi32, #tpu.memory_space<hbm>>
        tpu.enqueue_dma source(%dma_start3A_236 : memref<40x128xi32, #tpu.memory_space<hbm>>) target(%arg9 : memref<40x128xi32, #tpu.memory_space<vmem>>) target_semaphore(%run_scoped3A : memref<!tpu.dma_semaphore, #tpu.memory_space<semaphore_mem>>)
        %dma_wait3A = arith.constant 0 : i32
        %dma_wait3A_237 = arith.constant 0 : i32
        %dma_wait3A_238 = tpu.memref_slice %arg4[%add3A_217, %dma_wait3A, %dma_wait3A_237] : memref<64x40x128xi32, #tpu.memory_space<hbm>> -> memref<1x40x128xi32, #tpu.memory_space<hbm>>
        %dma_wait3A_239 = tpu.memref_squeeze %dma_wait3A_238 : memref<1x40x128xi32, #tpu.memory_space<hbm>> -> memref<40x128xi32, #tpu.memory_space<hbm>>
        %dma_wait3A_240 = arith.constant 0 : i32
        %dma_wait3A_241 = arith.constant 0 : i32
        %dma_wait3A_242 = tpu.memref_slice %arg4[%add3A_217, %dma_wait3A_240, %dma_wait3A_241] : memref<64x40x128xi32, #tpu.memory_space<hbm>> -> memref<1x40x128xi32, #tpu.memory_space<hbm>>
        %dma_wait3A_243 = tpu.memref_squeeze %dma_wait3A_242 : memref<1x40x128xi32, #tpu.memory_space<hbm>> -> memref<40x128xi32, #tpu.memory_space<hbm>>
        tpu.wait_dma2 semaphore(%run_scoped3A : memref<!tpu.dma_semaphore, #tpu.memory_space<semaphore_mem>>) src(%dma_wait3A_243 : memref<40x128xi32, #tpu.memory_space<hbm>>) dst(%arg9 : memref<40x128xi32, #tpu.memory_space<vmem>>)
        tpu.yield
      }) : () -> ()
      %dma_start3A = arith.constant 0 : i32
      %dma_start3A_218 = arith.constant 0 : i32
      %dma_start3A_219 = tpu.memref_slice %arg8[%dma_start3A, %dma_start3A_218] : memref<40x128xi32, #tpu.memory_space<vmem>> -> memref<1x128xi32, #tpu.memory_space<vmem>>
      %dma_start3A_220 = tpu.memref_squeeze %dma_start3A_219 : memref<1x128xi32, #tpu.memory_space<vmem>> -> memref<128xi32, #tpu.memory_space<vmem>>
      %dma_start3A_221 = arith.constant 0 : i32
      %dma_start3A_222 = arith.constant 0 : i32
      %dma_start3A_223 = tpu.memref_slice %arg2[%dma_start3A_221, %dma_start3A_222] : memref<10000x128xf32, #tpu.memory_space<hbm>> -> memref<10000x128xf32, #tpu.memory_space<hbm>>
      tpu.enqueue_indirect_dma source(%dma_start3A_223 : memref<10000x128xf32, #tpu.memory_space<hbm>>) target(%arg10 : memref<128x128xf32, #tpu.memory_space<vmem>>) offsets(%dma_start3A_220 : memref<128xi32, #tpu.memory_space<vmem>>) semaphore(%arg16 : memref<!tpu.dma_semaphore, #tpu.memory_space<semaphore_mem>>)
      %scan3A = arith.constant 0 : i32
      %scan3A_224 = arith.constant 0 : i32
      %scan3A_225 = arith.constant 20 : i32
      %scan3A_226 = arith.addi %scan3A_224, %scan3A_225 : i32
      %scan3A_227 = arith.constant 1 : i32
      scf.for %scan3A_229 = %scan3A_224 to %scan3A_226 step %scan3A_227  : i32 {
        %mul3A_230 = arith.constant 2 : i32
        %mul3A_231 = arith.muli %mul3A_230, %scan3A_229 : i32
        %add3A_232 = arith.constant 1 : i32
        %add3A_233 = arith.addi %mul3A_231, %add3A_232 : i32
        %dma_start3A_234 = arith.constant 0 : i32
        %dma_start3A_235 = tpu.memref_slice %arg8[%add3A_233, %dma_start3A_234] : memref<40x128xi32, #tpu.memory_space<vmem>> -> memref<1x128xi32, #tpu.memory_space<vmem>>
        %dma_start3A_236 = tpu.memref_squeeze %dma_start3A_235 : memref<1x128xi32, #tpu.memory_space<vmem>> -> memref<128xi32, #tpu.memory_space<vmem>>
        %dma_start3A_237 = arith.constant 0 : i32
        %dma_start3A_238 = arith.constant 0 : i32
        %dma_start3A_239 = tpu.memref_slice %arg2[%dma_start3A_237, %dma_start3A_238] : memref<10000x128xf32, #tpu.memory_space<hbm>> -> memref<10000x128xf32, #tpu.memory_space<hbm>>
        tpu.enqueue_indirect_dma source(%dma_start3A_239 : memref<10000x128xf32, #tpu.memory_space<hbm>>) target(%arg11 : memref<128x128xf32, #tpu.memory_space<vmem>>) offsets(%dma_start3A_236 : memref<128xi32, #tpu.memory_space<vmem>>) semaphore(%arg17 : memref<!tpu.dma_semaphore, #tpu.memory_space<semaphore_mem>>)
        %dma_wait3A = arith.constant 0 : i32
        %dma_wait3A_240 = tpu.memref_slice %arg8[%mul3A_231, %dma_wait3A] : memref<40x128xi32, #tpu.memory_space<vmem>> -> memref<1x128xi32, #tpu.memory_space<vmem>>
        %dma_wait3A_241 = tpu.memref_squeeze %dma_wait3A_240 : memref<1x128xi32, #tpu.memory_space<vmem>> -> memref<128xi32, #tpu.memory_space<vmem>>
        %dma_wait3A_242 = arith.constant 0 : i32
        %dma_wait3A_243 = arith.constant 0 : i32
        %dma_wait3A_244 = tpu.memref_slice %arg2[%dma_wait3A_242, %dma_wait3A_243] : memref<10000x128xf32, #tpu.memory_space<hbm>> -> memref<10000x128xf32, #tpu.memory_space<hbm>>
        tpu.wait_indirect_dma semaphore(%arg16 : memref<!tpu.dma_semaphore, #tpu.memory_space<semaphore_mem>>) src(%dma_wait3A_244 : memref<10000x128xf32, #tpu.memory_space<hbm>>) dst(%arg10 : memref<128x128xf32, #tpu.memory_space<vmem>>)
        "tpu.region"() ({
          %run_scoped3A = tpu.sem_alloc : memref<!tpu.dma_semaphore, #tpu.memory_space<semaphore_mem>>
          %dma_start3A_255 = arith.constant 0 : i32
          %dma_start3A_256 = tpu.memref_slice %arg9[%mul3A_231, %dma_start3A_255] : memref<40x128xi32, #tpu.memory_space<vmem>> -> memref<1x128xi32, #tpu.memory_space<vmem>>
          %dma_start3A_257 = tpu.memref_squeeze %dma_start3A_256 : memref<1x128xi32, #tpu.memory_space<vmem>> -> memref<128xi32, #tpu.memory_space<vmem>>
          %dma_start3A_258 = arith.constant 0 : i32
          %dma_start3A_259 = arith.constant 0 : i32
          %dma_start3A_260 = tpu.memref_slice %arg14[%dma_start3A_258, %dma_start3A_259] : memref<10240x128xf32, #tpu.memory_space<vmem_shared>> -> memref<10240x128xf32, #tpu.memory_space<vmem_shared>>
          tpu.enqueue_indirect_dma source(%arg10 : memref<128x128xf32, #tpu.memory_space<vmem>>) target(%dma_start3A_260 : memref<10240x128xf32, #tpu.memory_space<vmem_shared>>) offsets(%dma_start3A_257 : memref<128xi32, #tpu.memory_space<vmem>>) semaphore(%run_scoped3A : memref<!tpu.dma_semaphore, #tpu.memory_space<semaphore_mem>>) {add = true}
          %dma_wait3A_261 = arith.constant 0 : i32
          %dma_wait3A_262 = tpu.memref_slice %arg9[%mul3A_231, %dma_wait3A_261] : memref<40x128xi32, #tpu.memory_space<vmem>> -> memref<1x128xi32, #tpu.memory_space<vmem>>
          %dma_wait3A_263 = tpu.memref_squeeze %dma_wait3A_262 : memref<1x128xi32, #tpu.memory_space<vmem>> -> memref<128xi32, #tpu.memory_space<vmem>>
          %dma_wait3A_264 = arith.constant 0 : i32
          %dma_wait3A_265 = arith.constant 0 : i32
          %dma_wait3A_266 = tpu.memref_slice %arg14[%dma_wait3A_264, %dma_wait3A_265] : memref<10240x128xf32, #tpu.memory_space<vmem_shared>> -> memref<10240x128xf32, #tpu.memory_space<vmem_shared>>
          tpu.wait_indirect_dma semaphore(%run_scoped3A : memref<!tpu.dma_semaphore, #tpu.memory_space<semaphore_mem>>) src(%arg10 : memref<128x128xf32, #tpu.memory_space<vmem>>) dst(%dma_wait3A_266 : memref<10240x128xf32, #tpu.memory_space<vmem_shared>>)
          tpu.yield
        }) : () -> ()
        "tpu.region"() ({
          %run_scoped3A = tpu.sem_alloc : memref<!tpu.dma_semaphore, #tpu.memory_space<semaphore_mem>>
          %dma_start3A_255 = arith.constant 0 : i32
          %dma_start3A_256 = tpu.memref_slice %arg9[%mul3A_231, %dma_start3A_255] : memref<40x128xi32, #tpu.memory_space<vmem>> -> memref<1x128xi32, #tpu.memory_space<vmem>>
          %dma_start3A_257 = tpu.memref_squeeze %dma_start3A_256 : memref<1x128xi32, #tpu.memory_space<vmem>> -> memref<128xi32, #tpu.memory_space<vmem>>
          %dma_start3A_258 = arith.constant 0 : i32
          %dma_start3A_259 = tpu.memref_slice %arg15[%dma_start3A_258] : memref<10240xf32, #tpu.memory_space<vmem_shared>> -> memref<10240xf32, #tpu.memory_space<vmem_shared>>
          tpu.enqueue_indirect_dma source(%arg12 : memref<128xf32, #tpu.memory_space<vmem>>) target(%dma_start3A_259 : memref<10240xf32, #tpu.memory_space<vmem_shared>>) offsets(%dma_start3A_257 : memref<128xi32, #tpu.memory_space<vmem>>) semaphore(%run_scoped3A : memref<!tpu.dma_semaphore, #tpu.memory_space<semaphore_mem>>) {add = true}
          %dma_wait3A_260 = arith.constant 0 : i32
          %dma_wait3A_261 = tpu.memref_slice %arg9[%mul3A_231, %dma_wait3A_260] : memref<40x128xi32, #tpu.memory_space<vmem>> -> memref<1x128xi32, #tpu.memory_space<vmem>>
          %dma_wait3A_262 = tpu.memref_squeeze %dma_wait3A_261 : memref<1x128xi32, #tpu.memory_space<vmem>> -> memref<128xi32, #tpu.memory_space<vmem>>
          %dma_wait3A_263 = arith.constant 0 : i32
          %dma_wait3A_264 = tpu.memref_slice %arg15[%dma_wait3A_263] : memref<10240xf32, #tpu.memory_space<vmem_shared>> -> memref<10240xf32, #tpu.memory_space<vmem_shared>>
          tpu.wait_indirect_dma semaphore(%run_scoped3A : memref<!tpu.dma_semaphore, #tpu.memory_space<semaphore_mem>>) src(%arg12 : memref<128xf32, #tpu.memory_space<vmem>>) dst(%dma_wait3A_264 : memref<10240xf32, #tpu.memory_space<vmem_shared>>)
          tpu.yield
        }) : () -> ()
        %lt3A = arith.constant 19 : i32
        %lt3A_245 = arith.cmpi slt, %scan3A_229, %lt3A : i32
        %convert_element_type3A = arith.extui %lt3A_245 : i1 to i32
        %cond3A = arith.constant 0 : i32
        %cond3A_246 = arith.cmpi ne, %convert_element_type3A, %cond3A : i32
        scf.if %cond3A_246 {
          %add3A_255 = arith.constant 2 : i32
          %add3A_256 = arith.addi %mul3A_231, %add3A_255 : i32
          %dma_start3A_257 = arith.constant 0 : i32
          %dma_start3A_258 = tpu.memref_slice %arg8[%add3A_256, %dma_start3A_257] : memref<40x128xi32, #tpu.memory_space<vmem>> -> memref<1x128xi32, #tpu.memory_space<vmem>>
          %dma_start3A_259 = tpu.memref_squeeze %dma_start3A_258 : memref<1x128xi32, #tpu.memory_space<vmem>> -> memref<128xi32, #tpu.memory_space<vmem>>
          %dma_start3A_260 = arith.constant 0 : i32
          %dma_start3A_261 = arith.constant 0 : i32
          %dma_start3A_262 = tpu.memref_slice %arg2[%dma_start3A_260, %dma_start3A_261] : memref<10000x128xf32, #tpu.memory_space<hbm>> -> memref<10000x128xf32, #tpu.memory_space<hbm>>
          tpu.enqueue_indirect_dma source(%dma_start3A_262 : memref<10000x128xf32, #tpu.memory_space<hbm>>) target(%arg10 : memref<128x128xf32, #tpu.memory_space<vmem>>) offsets(%dma_start3A_259 : memref<128xi32, #tpu.memory_space<vmem>>) semaphore(%arg16 : memref<!tpu.dma_semaphore, #tpu.memory_space<semaphore_mem>>)
        } else {
        }
        %add3A_247 = arith.constant 1 : i32
        %add3A_248 = arith.addi %mul3A_231, %add3A_247 : i32
        %dma_wait3A_249 = arith.constant 0 : i32
        %dma_wait3A_250 = tpu.memref_slice %arg8[%add3A_248, %dma_wait3A_249] : memref<40x128xi32, #tpu.memory_space<vmem>> -> memref<1x128xi32, #tpu.memory_space<vmem>>
        %dma_wait3A_251 = tpu.memref_squeeze %dma_wait3A_250 : memref<1x128xi32, #tpu.memory_space<vmem>> -> memref<128xi32, #tpu.memory_space<vmem>>
        %dma_wait3A_252 = arith.constant 0 : i32
        %dma_wait3A_253 = arith.constant 0 : i32
        %dma_wait3A_254 = tpu.memref_slice %arg2[%dma_wait3A_252, %dma_wait3A_253] : memref<10000x128xf32, #tpu.memory_space<hbm>> -> memref<10000x128xf32, #tpu.memory_space<hbm>>
        tpu.wait_indirect_dma semaphore(%arg17 : memref<!tpu.dma_semaphore, #tpu.memory_space<semaphore_mem>>) src(%dma_wait3A_254 : memref<10000x128xf32, #tpu.memory_space<hbm>>) dst(%arg11 : memref<128x128xf32, #tpu.memory_space<vmem>>)
        "tpu.region"() ({
          %run_scoped3A = tpu.sem_alloc : memref<!tpu.dma_semaphore, #tpu.memory_space<semaphore_mem>>
          %dma_start3A_255 = arith.constant 0 : i32
          %dma_start3A_256 = tpu.memref_slice %arg9[%add3A_248, %dma_start3A_255] : memref<40x128xi32, #tpu.memory_space<vmem>> -> memref<1x128xi32, #tpu.memory_space<vmem>>
          %dma_start3A_257 = tpu.memref_squeeze %dma_start3A_256 : memref<1x128xi32, #tpu.memory_space<vmem>> -> memref<128xi32, #tpu.memory_space<vmem>>
          %dma_start3A_258 = arith.constant 0 : i32
          %dma_start3A_259 = arith.constant 0 : i32
          %dma_start3A_260 = tpu.memref_slice %arg14[%dma_start3A_258, %dma_start3A_259] : memref<10240x128xf32, #tpu.memory_space<vmem_shared>> -> memref<10240x128xf32, #tpu.memory_space<vmem_shared>>
          tpu.enqueue_indirect_dma source(%arg11 : memref<128x128xf32, #tpu.memory_space<vmem>>) target(%dma_start3A_260 : memref<10240x128xf32, #tpu.memory_space<vmem_shared>>) offsets(%dma_start3A_257 : memref<128xi32, #tpu.memory_space<vmem>>) semaphore(%run_scoped3A : memref<!tpu.dma_semaphore, #tpu.memory_space<semaphore_mem>>) {add = true}
          %dma_wait3A_261 = arith.constant 0 : i32
          %dma_wait3A_262 = tpu.memref_slice %arg9[%add3A_248, %dma_wait3A_261] : memref<40x128xi32, #tpu.memory_space<vmem>> -> memref<1x128xi32, #tpu.memory_space<vmem>>
          %dma_wait3A_263 = tpu.memref_squeeze %dma_wait3A_262 : memref<1x128xi32, #tpu.memory_space<vmem>> -> memref<128xi32, #tpu.memory_space<vmem>>
          %dma_wait3A_264 = arith.constant 0 : i32
          %dma_wait3A_265 = arith.constant 0 : i32
          %dma_wait3A_266 = tpu.memref_slice %arg14[%dma_wait3A_264, %dma_wait3A_265] : memref<10240x128xf32, #tpu.memory_space<vmem_shared>> -> memref<10240x128xf32, #tpu.memory_space<vmem_shared>>
          tpu.wait_indirect_dma semaphore(%run_scoped3A : memref<!tpu.dma_semaphore, #tpu.memory_space<semaphore_mem>>) src(%arg11 : memref<128x128xf32, #tpu.memory_space<vmem>>) dst(%dma_wait3A_266 : memref<10240x128xf32, #tpu.memory_space<vmem_shared>>)
          tpu.yield
        }) : () -> ()
        "tpu.region"() ({
          %run_scoped3A = tpu.sem_alloc : memref<!tpu.dma_semaphore, #tpu.memory_space<semaphore_mem>>
          %dma_start3A_255 = arith.constant 0 : i32
          %dma_start3A_256 = tpu.memref_slice %arg9[%add3A_248, %dma_start3A_255] : memref<40x128xi32, #tpu.memory_space<vmem>> -> memref<1x128xi32, #tpu.memory_space<vmem>>
          %dma_start3A_257 = tpu.memref_squeeze %dma_start3A_256 : memref<1x128xi32, #tpu.memory_space<vmem>> -> memref<128xi32, #tpu.memory_space<vmem>>
          %dma_start3A_258 = arith.constant 0 : i32
          %dma_start3A_259 = tpu.memref_slice %arg15[%dma_start3A_258] : memref<10240xf32, #tpu.memory_space<vmem_shared>> -> memref<10240xf32, #tpu.memory_space<vmem_shared>>
          tpu.enqueue_indirect_dma source(%arg12 : memref<128xf32, #tpu.memory_space<vmem>>) target(%dma_start3A_259 : memref<10240xf32, #tpu.memory_space<vmem_shared>>) offsets(%dma_start3A_257 : memref<128xi32, #tpu.memory_space<vmem>>) semaphore(%run_scoped3A : memref<!tpu.dma_semaphore, #tpu.memory_space<semaphore_mem>>) {add = true}
          %dma_wait3A_260 = arith.constant 0 : i32
          %dma_wait3A_261 = tpu.memref_slice %arg9[%add3A_248, %dma_wait3A_260] : memref<40x128xi32, #tpu.memory_space<vmem>> -> memref<1x128xi32, #tpu.memory_space<vmem>>
          %dma_wait3A_262 = tpu.memref_squeeze %dma_wait3A_261 : memref<1x128xi32, #tpu.memory_space<vmem>> -> memref<128xi32, #tpu.memory_space<vmem>>
          %dma_wait3A_263 = arith.constant 0 : i32
          %dma_wait3A_264 = tpu.memref_slice %arg15[%dma_wait3A_263] : memref<10240xf32, #tpu.memory_space<vmem_shared>> -> memref<10240xf32, #tpu.memory_space<vmem_shared>>
          tpu.wait_indirect_dma semaphore(%run_scoped3A : memref<!tpu.dma_semaphore, #tpu.memory_space<semaphore_mem>>) src(%arg12 : memref<128xf32, #tpu.memory_space<vmem>>) dst(%dma_wait3A_264 : memref<10240xf32, #tpu.memory_space<vmem_shared>>)
          tpu.yield
        }) : () -> ()
      }
      %scan3A_228 = arith.constant 20 : i32
    }
    %barrier3A_214 = arith.constant 0 : index
    tpu.barrier barrier_id(%barrier3A_214)
    "tpu.region"() ({
      %run_scoped3A = tpu.sem_alloc : memref<!tpu.dma_semaphore, #tpu.memory_space<semaphore_mem>>
      %dma_start3A = arith.constant 0 : i32
      %dma_start3A_215 = tpu.memref_slice %arg6[%arg0, %mul3A_0, %dma_start3A] : memref<2x10240x128xf32, #tpu.memory_space<hbm>> -> memref<1x640x128xf32, #tpu.memory_space<hbm>>
      %dma_start3A_216 = tpu.memref_squeeze %dma_start3A_215 : memref<1x640x128xf32, #tpu.memory_space<hbm>> -> memref<640x128xf32, #tpu.memory_space<hbm>>
      %dma_start3A_217 = arith.constant 0 : i32
      %dma_start3A_218 = tpu.memref_slice %arg14[%mul3A_0, %dma_start3A_217] : memref<10240x128xf32, #tpu.memory_space<vmem_shared>> -> memref<640x128xf32, #tpu.memory_space<vmem_shared>>
      tpu.enqueue_dma source(%dma_start3A_218 : memref<640x128xf32, #tpu.memory_space<vmem_shared>>) target(%dma_start3A_216 : memref<640x128xf32, #tpu.memory_space<hbm>>) target_semaphore(%run_scoped3A : memref<!tpu.dma_semaphore, #tpu.memory_space<semaphore_mem>>)
      %dma_wait3A = arith.constant 0 : i32
      %dma_wait3A_219 = tpu.memref_slice %arg6[%arg0, %mul3A_0, %dma_wait3A] : memref<2x10240x128xf32, #tpu.memory_space<hbm>> -> memref<1x640x128xf32, #tpu.memory_space<hbm>>
      %dma_wait3A_220 = tpu.memref_squeeze %dma_wait3A_219 : memref<1x640x128xf32, #tpu.memory_space<hbm>> -> memref<640x128xf32, #tpu.memory_space<hbm>>
      %dma_wait3A_221 = arith.constant 0 : i32
      %dma_wait3A_222 = tpu.memref_slice %arg14[%mul3A_0, %dma_wait3A_221] : memref<10240x128xf32, #tpu.memory_space<vmem_shared>> -> memref<640x128xf32, #tpu.memory_space<vmem_shared>>
      tpu.wait_dma2 semaphore(%run_scoped3A : memref<!tpu.dma_semaphore, #tpu.memory_space<semaphore_mem>>) src(%dma_wait3A_222 : memref<640x128xf32, #tpu.memory_space<vmem_shared>>) dst(%dma_wait3A_220 : memref<640x128xf32, #tpu.memory_space<hbm>>)
      tpu.yield
    }) : () -> ()
    "tpu.region"() ({
      %run_scoped3A = tpu.sem_alloc : memref<!tpu.dma_semaphore, #tpu.memory_space<semaphore_mem>>
      %dma_start3A = tpu.memref_slice %arg7[%arg0, %mul3A_0] : memref<2x10240xf32, #tpu.memory_space<hbm>> -> memref<1x640xf32, #tpu.memory_space<hbm>>
      %dma_start3A_215 = tpu.memref_squeeze %dma_start3A : memref<1x640xf32, #tpu.memory_space<hbm>> -> memref<640xf32, #tpu.memory_space<hbm>>
      %dma_start3A_216 = tpu.memref_slice %arg15[%mul3A_0] : memref<10240xf32, #tpu.memory_space<vmem_shared>> -> memref<640xf32, #tpu.memory_space<vmem_shared>>
      tpu.enqueue_dma source(%dma_start3A_216 : memref<640xf32, #tpu.memory_space<vmem_shared>>) target(%dma_start3A_215 : memref<640xf32, #tpu.memory_space<hbm>>) target_semaphore(%run_scoped3A : memref<!tpu.dma_semaphore, #tpu.memory_space<semaphore_mem>>)
      %dma_wait3A = tpu.memref_slice %arg7[%arg0, %mul3A_0] : memref<2x10240xf32, #tpu.memory_space<hbm>> -> memref<1x640xf32, #tpu.memory_space<hbm>>
      %dma_wait3A_217 = tpu.memref_squeeze %dma_wait3A : memref<1x640xf32, #tpu.memory_space<hbm>> -> memref<640xf32, #tpu.memory_space<hbm>>
      %dma_wait3A_218 = tpu.memref_slice %arg15[%mul3A_0] : memref<10240xf32, #tpu.memory_space<vmem_shared>> -> memref<640xf32, #tpu.memory_space<vmem_shared>>
      tpu.wait_dma2 semaphore(%run_scoped3A : memref<!tpu.dma_semaphore, #tpu.memory_space<semaphore_mem>>) src(%dma_wait3A_218 : memref<640xf32, #tpu.memory_space<vmem_shared>>) dst(%dma_wait3A_217 : memref<640xf32, #tpu.memory_space<hbm>>)
      tpu.yield
    }) : () -> ()
    return
  }
}

</mosaic_0001>

<sc_bundles>
// kernel: _sc_aggregate.3.cloned.1.call-start
scs
__scs_entry_jumppad:
0x0: {  	(pc) =	sbr.rel $0x88, $3  }
0x1: {  	(tag) =	ssettag $0x0;
	lr =	simm.s32 $0x1  }
0x2: {  	[smem:$0x3F9D] =	sst lr;
	_ =	strace $0xD0000000  }
0x3: {  	_ = 	snop  }
0x4: {  	_ = 	snop  }
0x5: {  	_ = 	snop  }
0x6: {  	_ = 	snop  }
0x7: {  	_ = 	snop  }
__scs_overlays_trampoline_lowered:
0x8: {  	[smem:$0x3FAC] =	sst s0  }
0x9: {  	[smem:$0x3FAD] =	sst s1  }
0xa: {  	[smem:$0x3FAE] =	sst s2  }
0xb: {  	[smem:$0x3FAF] =	sst s3  }
0xc: {  	[smem:$0x3FB0] =	sst s4  }
0xd: {  	[smem:$0x3FB1] =	sst s5  }
0xe: {  	[smem:$0x3FB2] =	sst s6  }
0xf: {  	[smem:$0x3FB3] =	sst s7  }
0x10: {  	[smem:$0x3FB4] =	sst s8  }
0x11: {  	[smem:$0x3FB5] =	sst s9;
	s0 =	simm.s32 @!p0 $0x0  }
0x12: {  	s1 =	sld [smem:$0x3F9B];
	s0 =	simm.s32 @p0 $0x1  }
0x13: {  	[smem:$0x3FB6] =	sst s0;
	s0 =	simm.s32 @!p1 $0x0  }
0x14: {  	s2 =	sld [smem:$0x3F9A];
	s0 =	simm.s32 @p1 $0x1  }
0x15: {  	[smem:$0x3FB7] =	sst s0;
	s0 =	simm.s32 @!p2 $0x0  }
0x16: {  	s3 =	sld [smem:$0x3FDB];
	s0 =	simm.s32 @p2 $0x1  }
0x17: {  	s4 =	simm.s32 $0x1BF5;
	[smem:$0x3FB9] =	sst s0  }
0x18: {  	s0 =	sld [smem:$0x3F9C];
	_ =	swait.ge [sflag:s4], $0x0  }
0x19: {  	s7 =	sld [smem:$0x3F9D]  }
0x1a: {  	s8 =	sadd.s32 $0xFFFFE003, lr  }
0x1b: {  	s9 =	sadd.s32 $0xFFFFFEF7, lr;
	s5 =	simm.s32 $0xFFFFFFFF;
	p2 =	slt.u32 s8, $0xFFFFF086  }
0x1c: {  	p1 =	slt.u32 s9, $0xF7A;
	s5 =	simm.s32 @!p2 $0x0  }
0x1d: {  	s5 =	simm.s32 @p1 $0x1;
	p0 =	seq.s32 s7, s2  }
0x1e: {  	s7 =	smul.u32 @!p0 $0xF7A, s2;
	p2 =	seq.s32 @!p0 s5, $0x0  }
0x1f: {  	s9 =	smul.u32 $0xF7A, s1;
	s8 =	simm.s32 @!p0 $0x1BF5;
	p2 =	por !p2, p0  }
0x20: {  	[sflag:s8] =	ssyncset.s32 @!p0 $0xFFFFF086;
	s6 =	sadd.s32 @!p0 s3, s7;
	s7 =	simm.s32 @!p0 $0x108  }
0x21: {  	s3 =	sadd.s32 s3, s9;
	s6 =	sadd.s32 @!p0 $0x88, s6;
	s7 =	simm.s32 @p2 $0x1082  }
0x22: {  	[simem:s7], [sflag:s8] =	dma.local @!p0 [hbm:s6], $0xF7A  }
0x23: {  	s9 =	sor.u32 $0xD0000000, s2;
	s6 =	simm.s32 $0x108;
	_ =	swait.ge @!p0 [sflag:s8], $0x0  }
0x24: {  	s3 =	sadd.s32 $0x88, s3;
	s6 =	simm.s32 @!p1 $0x1082;
	[sflag:s4] =	ssyncset.s32 $0xFFFFF086  }
0x25: {  	[simem:s6], [sflag:s4] =	dma.local [hbm:s3], $0xF7A  }
0x26: {  	[smem:$0x3F9D] =	sst s1;
	(tag) =	ssettag s2;
	_ =	strace s9  }
0x27: {  	s1 =	sld [smem:$0x3FAD]  }
0x28: {  	s2 =	sld [smem:$0x3FAE]  }
0x29: {  	s4 =	sld [smem:$0x3FB0]  }
0x2a: {  	p0 =	seq.s32 s5, $0x0;
	s5 =	sld [smem:$0x3FB1]  }
0x2b: {  	s6 =	sld [smem:$0x3FB2]  }
0x2c: {  	s7 =	sld [smem:$0x3FB3]  }
0x2d: {  	s3 =	simm.s32 $0x108;
	s8 =	sld [smem:$0x3FB4]  }
0x2e: {  	s3 =	simm.s32 @!p0 $0x1082;
	s9 =	sld [smem:$0x3FB5]  }
0x2f: {  	lr =	sadd.s32 s0, s3;
	s0 =	sld [smem:$0x3FAC]  }
0x30: {  	s3 =	sld [smem:$0x3FAF]  }
0x31: {  	[smem:$0x3FB8] =	sst s10  }
0x32: {  	s10 =	sld [smem:$0x3FB6];
	_ =	sdelay $0x3  }
0x33: {  	p0 =	seq.s32 s10, $0x1;
	s10 =	sld [smem:$0x3FB8];
	_ =	sdelay $0x3  }
0x34: {  	[smem:$0x3FB8] =	sst s10  }
0x35: {  	s10 =	sld [smem:$0x3FB7];
	_ =	sdelay $0x3  }
0x36: {  	p1 =	seq.s32 s10, $0x1;
	s10 =	sld [smem:$0x3FB8];
	_ =	sdelay $0x3  }
0x37: {  	[smem:$0x3FB8] =	sst s10  }
0x38: {  	s10 =	sld [smem:$0x3FB9]  }
0x39: {  	_ = 	snop;
	(pc) =	sbr.ind lr, $3  }
0x3a: {  	_ = 	snop  }
0x3b: {  	_ = 	snop  }
0x3c: {  	p2 =	seq.s32 s10, $0x1;
	s10 =	sld [smem:$0x3FB8]  }
0x3d: {  	_ =	shalt  }
0x3e: {  	_ =	shalt  }
0x3f: {  	_ =	shalt  }
0x40: {  	_ =	shalt  }
0x41: {  	_ =	shalt  }
0x42: {  	_ =	shalt  }
0x43: {  	_ =	shalt  }
0x44: {  	_ =	shalt  }
0x45: {  	_ =	shalt  }
0x46: {  	_ =	shalt  }
0x47: {  	_ =	shalt  }
0x48: {  	_ =	shalt  }
0x49: {  	_ =	shalt  }
0x4a: {  	_ =	shalt  }
0x4b: {  	_ =	shalt  }
0x4c: {  	_ =	shalt  }
0x4d: {  	_ =	shalt  }
0x4e: {  	_ =	shalt  }
0x4f: {  	_ =	shalt  }
0x50: {  	_ =	shalt  }
0x51: {  	_ =	shalt  }
0x52: {  	_ =	shalt  }
0x53: {  	_ =	shalt  }
0x54: {  	_ =	shalt  }
0x55: {  	_ =	shalt  }
0x56: {  	_ =	shalt  }
0x57: {  	_ =	shalt  }
0x58: {  	_ =	shalt  }
0x59: {  	_ =	shalt  }
0x5a: {  	_ =	shalt  }
0x5b: {  	_ =	shalt  }
0x5c: {  	_ =	shalt  }
0x5d: {  	_ =	shalt  }
0x5e: {  	_ =	shalt  }
0x5f: {  	_ =	shalt  }
0x60: {  	_ =	shalt  }
0x61: {  	_ =	shalt  }
0x62: {  	_ =	shalt  }
0x63: {  	_ =	shalt  }
0x64: {  	_ =	shalt  }
0x65: {  	_ =	shalt  }
0x66: {  	_ =	shalt  }
0x67: {  	_ =	shalt  }
0x68: {  	_ =	shalt  }
0x69: {  	_ =	shalt  }
0x6a: {  	_ =	shalt  }
0x6b: {  	_ =	shalt  }
0x6c: {  	_ =	shalt  }
0x6d: {  	_ =	shalt  }
0x6e: {  	_ =	shalt  }
0x6f: {  	_ =	shalt  }
0x70: {  	_ =	shalt  }
0x71: {  	_ =	shalt  }
0x72: {  	_ =	shalt  }
0x73: {  	_ =	shalt  }
0x74: {  	_ =	shalt  }
0x75: {  	_ =	shalt  }
0x76: {  	_ =	shalt  }
0x77: {  	_ =	shalt  }
0x78: {  	_ =	shalt  }
0x79: {  	_ =	shalt  }
0x7a: {  	_ =	shalt  }
0x7b: {  	_ =	shalt  }
0x7c: {  	_ =	shalt  }
0x7d: {  	_ =	shalt  }
0x7e: {  	_ =	shalt  }
0x7f: {  	_ =	shalt  }
0x80: {  	_ =	shalt  }
0x81: {  	_ =	shalt  }
0x82: {  	_ =	shalt  }
0x83: {  	_ =	shalt  }
0x84: {  	_ =	shalt  }
0x85: {  	_ =	shalt  }
0x86: {  	_ =	shalt  }
0x87: {  	_ =	shalt  }
.Lfunc_end0:
.L_simem_size_0:
called_computation_lowered:
.L_overlay_start_0:
0x88: {  	s2 =	sld [smem:$0x3FD9]  }
0x89: {  	s3 =	sld [smem:$0x3FFE];
	_ =	sdelay $0x1  }
0x8a: {  	s1 =	srdreg.scid  }
0x8b: {  	s0 =	sand.u32 $0x1, s1  }
0x8c: {  	s15 =	sshll.u32 s0, $0xA;
	s2 =	sadd.s32 s3, s2  }
0x8d: {  	s2 =	sadd.s32 s2, s15  }
0x8e: {  	[smem:$0x3FC4] =	sst s2  }
0x8f: {  	_ = 	snop  }
0x90: {  	s2 =	sld [smem:$0x3FC9]  }
0x91: {  	s16 =	sld [smem:$0x3FD0]  }
0x92: {  	s4 =	sld [smem:$0x3FC8]  }
0x93: {  	s5 =	sld [smem:$0x3FC7]  }
0x94: {  	s7 =	simm.s32 $0xA;
	s8 =	simm.s32 $0x10;
	s6 =	sld [smem:$0x3FC6]  }
0x95: {  	[smem:s8], [sflag:s7] =	dma.local [hbm:s16], $0x1  }
0x96: {  	_ =	swait.eq [sflag:s7], $0x1  }
0x97: {  	[sflag:s7] =	ssyncset.done $0x0  }
0x98: {  	s17 =	sld [smem:$0x10];
	[sflag:s7] =	ssyncadd.s32 $0xFFFFFFFF  }
0x99: {  	s18 =	sld [smem:$0x11];
	(tm) =	ssettm $0x1  }
0x9a: {  	s19 =	sld [smem:$0x3FFB];
	_ =	sdelay $0x3  }
0x9b: {  	_ =	strace s19  }
0x9c: {  	s8 =	sld [smem:$0x3FFC];
	_ =	sdelay $0x3  }
0x9d: {  	_ =	strace s8  }
0x9e: {  	s8 =	sld [smem:$0x3FFD];
	_ =	sdelay $0x3  }
0x9f: {  	_ =	strace s8  }
0xa0: {  	_ =	strace $0x8FFFFFFF  }
0xa1: {  	s20 =	sld [smem:$0x3FDB];
	_ =	sdelay $0x1  }
0xa2: {  	s9 =	simm.s32 $_scs_section_size  }
0xa3: {  	s10 =	simm.s32 $_size__tile_overlayer_lowered;
	s11 =	simm.s32 $_tile_overlayer_lowered  }
0xa4: {  	s23 =	simm.s32 $0x1BFF;
	s22 =	sshll.u32 s11, $0x1;
	s8 =	sadd.s32 s9, s20  }
0xa5: {  	s12 =	simm.s32 $0x0;
	s21 =	sshll.u32 s10, $0x1;
	s10 =	sadd.s32 s22, s8  }
0xa6: {  	[timem:s12], [sflag:s23] =	dma.local [hbm:s10], s21  }
0xa7: {  	_ =	swait.ge [sflag:s23], s21  }
0xa8: {  	s9 =	ssub.s32 $0x0, s21;
	[sflag:s23] =	ssyncset.done $0x0  }
0xa9: {  	[sflag:s23] =	ssyncadd.s32 s9;
	_ =	sdelay $0x1  }
0xaa: {  	s24 =	simm.s32 $0x1B8B  }
0xab: {  	_ =	swait.ge [sflag:s24], $0x1  }
0xac: {  	[sflag:s24] =	ssyncset.done $0x0  }
0xad: {  	s25 =	simm.s32 $0x1B8E;
	[sflag:s24] =	ssyncadd.s32 $0xFFFFFFFF  }
0xae: {  	s26 =	simm.s32 $execute0_lowered;
	[smem:$0x3FD2] =	sst s25  }
0xaf: {  	s9 =	sshll.u32 s26, $0x1;
	_ =	strace $0x80000046;
	[dreg:$0x1] =	wrdreg $0xFFFFFFFF  }
0xb0: {  	s28 =	simm.s32 $_size_execute0_lowered;
	s8 =	sadd.s32 s8, s9;
	[dreg:$0x0] =	wrdreg $0x0  }
0xb1: {  	s9 =	sshll.u32 s28, $0x1;
	[dreg:$0x2] =	wrdreg s8  }
0xb2: {  	[dreg:$0x3] =	wrdreg s9  }
0xb3: {  	[dreg:$0x4] =	wrdreg $0xC0  }
0xb4: {  	_ =	task [dreg:s12], $0x5FFFF  }
0xb5: {  	[dreg:$0x1] =	wrdreg $0xFFFFFFFF  }
0xb6: {  	[dreg:$0x0] =	wrdreg $0x60  }
0xb7: {  	[dreg:$0x2] =	wrdreg s2  }
0xb8: {  	[dreg:$0x3] =	wrdreg s4  }
0xb9: {  	[dreg:$0x4] =	wrdreg s5  }
0xba: {  	[dreg:$0x5] =	wrdreg s6  }
0xbb: {  	[dreg:$0x6] =	wrdreg s17  }
0xbc: {  	[dreg:$0x7] =	wrdreg s18  }
0xbd: {  	[dreg:$0x8] =	wrdreg $0xAB000  }
0xbe: {  	[dreg:$0x9] =	wrdreg $0x1EB000  }
0xbf: {  	[dreg:$0xa] =	wrdreg $0x9  }
0xc0: {  	_ =	task.clear_ibuf [dreg:s12], $0xBFFFF;
	_ =	strace $0x90000046  }
0xc1: {  	s29 =	simm.s32 $0x9;
	_ =	strace $0x80000048  }
0xc2: {  	_ =	swait.ge [sflag:s29], $0x1  }
0xc3: {  	[sflag:s29] =	ssyncadd.s32 $0xFFFFFFFF  }
0xc4: {  	_ =	strace $0x90000048  }
0xc5: {  	_ =	sfence  }
0xc6: {  	s30 =	sld [smem:$0x0];
	_ =	sdelay $0x2  }
0xc7: {  	s31 =	sshll.u32 s1, $0xD;
	s1 =	sshrl.u32 s1, $0x2  }
0xc8: {  	s3 =	sand.u32 $0x4000, s31;
	s1 =	sadd.s32 s1, s30  }
0xc9: {  	s0 =	sor.u32 s3, s0;
	s1 =	sshll.u32 s1, $0x11  }
0xca: {  	s0 =	sor.u32 s1, s0  }
0xcb: {  	s0 =	sadd.s32 $0x8F2B, s0  }
0xcc: {  	[sflag:s0] =	ssyncadd.remote.s32 $0x1  }
0xcd: {  	_ =	sfence.sel $0xFFFF  }
0xce: {  	[dreg:$0x0] =	wrdreg $0xFFFFFFFF;
	(pc) =	sbr.abs _section_cstart, $3  }
0xcf: {  	[dreg:$0x1] =	wrdreg $0xFFFFFFFF  }
0xd0: {  	_ =	task.clear_ibuf [dreg:s12], $0x2FFFF;
	_ =	strace $0x9FFFFFFF  }
0xd1: {  	(tm) =	ssettm $0x7FFFFFFF  }
tec
execute0_lowered:
.L_overlay_start_1:
0x0: {  	(tag) =	ssettag $0x1  }
0x1: {  	s0 =	rddreg [dreg:$0x0]  }
0x2: {  	s1 =	rddreg [dreg:$0x1]  }
0x3: {  	s3 =	rddreg [dreg:$0x2]  }
0x4: {  	s2 =	rddreg [dreg:$0x4]  }
0x5: {  	s6 =	rddreg [dreg:$0x5]  }
0x6: {  	s5 =	rddreg [dreg:$0x6]  }
0x7: {  	s7 =	rddreg [dreg:$0x7]  }
0x8: {  	s8 =	simm.s32 $0x0;
	s9 =	srdreg.scid;
	s4 =	stileid.u32  }
0x9: {  	s19 =	simm.s32 $0x80;
	s20 =	simm.s32 $0x2800;
	s23 =	smul.u32 $0x50000, s4  }
0xa: {  	s21 =	simm.s32 $0x6800;
	s22 =	simm.s32 $0x1;
	s13 =	smul.u32 $0xA00, s4  }
0xb: {  	s28 =	simm.s32 $0x2780;
	s30 =	simm.s32 $0x10;
	s29 =	smul.u32 $0x14000, s4  }
0xc: {  	[smem:$0x7FF] =	sst s8;
	s11 =	sand.u32 $0x1, s9;
	s16 =	smul.u32 $0x500, s4  }
0xd: {  	s25 =	sshll.u32 s4, $0x6;
	s17 =	smul.u32 $0x3, s4;
	_ =	strace $0x80000047  }
0xe: {  	s10 =	ssub.s32 $0x2, s11;
	s24 =	smul.u32 $0x140000, s11;
	p0 =	seq.s32 s11, $0x1  }
0xf: {  	s18 =	sshll.u32 s11, $0x7;
	s11 =	sor.u32 $0x30, s4;
	s12 =	sshrl.u32 s10, $0x1  }
0x10: {  	s9 =	sshrl.u32 s23, $0x2;
	s26 =	sshrl.u32 s13, $0x2;
	s31 =	sor.u32 s18, s16  }
0x11: {  	s11 =	smov.u32 @p0 s17;
	s16 =	simm.s32 $0x3;
	s18 =	simm.s32 $0x1400  }
0x12: {  	s23 =	simm.s32 $0xA800;
	s14 =	ssub.s32 s10, s12;
	s15 =	sadd.s32 s9, s5  }
0x13: {  	s9 =	sor.u32 $0x1C03, s25;
	s10 =	sadd.s32 s26, s7;
	s12 =	sadd.s32 s29, s24  }
0x14: {  	s13 =	sshrl.u32 s31, $0x3;
	s24 =	simm.s32 $0x2;
	s25 =	simm.s32 $0x1380  }
0x15: {  	s26 =	simm.s32 $0x2700;
	s12 =	sshrl.u32 s12, $0x3;
	s13 =	sadd.s32 s6, s13  }
0x16: {  	v0 =	vimm.f32 $0.0e+00;
	v1 =	vimm.f32 $1.000000000e+00;
	s14 =	smax.u32 s14, $0x1;
	s15 =	sshrl.u32 s15, $0x3;
	s12 =	sadd.s32 s2, s12  }
.LBB2_1:
0x17: {  	s2 =	rddreg [dreg:$0x3]  }
0x18: {  	[spmem:s15], [sflag:s9] =	dma.local [hbm:s2], $0x2800  }
0x19: {  	_ =	swait.ge [sflag:s16], $0x2800  }
0x1a: {  	[sflag:s16] =	ssyncset.done $0x0  }
0x1b: {  	[sflag:s16] =	ssyncadd.s32 $0xFFFFD800  }
0x1c: {  	[tilespmem:$0xA880] =	vst v0  }
0x1d: {  	[tilespmem:$0xA890] =	vst v0  }
0x1e: {  	[tilespmem:$0xA8A0] =	vst v0  }
0x1f: {  	[tilespmem:$0xA8B0] =	vst v0  }
0x20: {  	[tilespmem:$0xA8C0] =	vst v0  }
0x21: {  	[tilespmem:$0xA8D0] =	vst v0  }
0x22: {  	[tilespmem:$0xA8E0] =	vst v0  }
0x23: {  	[tilespmem:$0xA8F0] =	vst v0  }
0x24: {  	[tilespmem:$0xA900] =	vst v0  }
0x25: {  	[tilespmem:$0xA910] =	vst v0  }
0x26: {  	[tilespmem:$0xA920] =	vst v0  }
0x27: {  	[tilespmem:$0xA930] =	vst v0  }
0x28: {  	[tilespmem:$0xA940] =	vst v0  }
0x29: {  	[tilespmem:$0xA950] =	vst v0  }
0x2a: {  	[tilespmem:$0xA960] =	vst v0  }
0x2b: {  	[tilespmem:$0xA970] =	vst v0  }
0x2c: {  	[tilespmem:$0xA980] =	vst v0  }
0x2d: {  	[tilespmem:$0xA990] =	vst v0  }
0x2e: {  	[tilespmem:$0xA9A0] =	vst v0  }
0x2f: {  	[tilespmem:$0xA9B0] =	vst v0  }
0x30: {  	[tilespmem:$0xA9C0] =	vst v0  }
0x31: {  	[tilespmem:$0xA9D0] =	vst v0  }
0x32: {  	[tilespmem:$0xA9E0] =	vst v0  }
0x33: {  	[tilespmem:$0xA9F0] =	vst v0  }
0x34: {  	[tilespmem:$0xAA00] =	vst v0  }
0x35: {  	[tilespmem:$0xAA10] =	vst v0  }
0x36: {  	[tilespmem:$0xAA20] =	vst v0  }
0x37: {  	[tilespmem:$0xAA30] =	vst v0  }
0x38: {  	[tilespmem:$0xAA40] =	vst v0  }
0x39: {  	[tilespmem:$0xAA50] =	vst v0  }
0x3a: {  	[tilespmem:$0xAA60] =	vst v0  }
0x3b: {  	[tilespmem:$0xAA70] =	vst v0  }
0x3c: {  	[tilespmem:$0xAA80] =	vst v0  }
0x3d: {  	[tilespmem:$0xAA90] =	vst v0  }
0x3e: {  	[tilespmem:$0xAAA0] =	vst v0  }
0x3f: {  	[tilespmem:$0xAAB0] =	vst v0  }
0x40: {  	[tilespmem:$0xAAC0] =	vst v0  }
0x41: {  	[tilespmem:$0xAAD0] =	vst v0  }
0x42: {  	[tilespmem:$0xAAE0] =	vst v0  }
0x43: {  	s29 =	simm.s32 $0xA880;
	[tilespmem:$0xAAF0] =	vst v0  }
0x44: {  	[spmem:s10] =	stream.linear.scatter [tilespmem:s29], [sflag:$0x3], $0x280, $0x38;
	[tilespmem:$0x1ED80] =	vst v63  }
0x45: {  	_ =	swait.ge [sflag:s16], $0x280  }
0x46: {  	[sflag:s16] =	ssyncset.done $0x0  }
0x47: {  	[sflag:s16] =	ssyncadd.s32 $0xFFFFFD80  }
0x48: {  	[tilespmem:$0xA800] =	vst v1  }
0x49: {  	[tilespmem:$0xA810] =	vst v1  }
0x4a: {  	[tilespmem:$0xA820] =	vst v1  }
0x4b: {  	[tilespmem:$0xA830] =	vst v1  }
0x4c: {  	[tilespmem:$0xA840] =	vst v1  }
0x4d: {  	[tilespmem:$0xA850] =	vst v1  }
0x4e: {  	[tilespmem:$0xA860] =	vst v1  }
0x4f: {  	[tilespmem:$0xA870] =	vst v1  }
0x50: {  	s31 =	simm.s32 $0x0;
	[bflag:$0x0] =	sbarrier.arrive $0xFFFF  }
.LBB2_2:
0x51: {  	s2 =	sadd.s32 s11, s31  }
0x52: {  	s2 =	smul.u32 $0x280, s2;
	_ =	sdelay $0x1  }
0x53: {  	s4 =	simm.s32 $0x0;
	s6 =	sadd.s32 s1, s2  }
0x54: {  	[tilespmem:s4], [sflag:$0x3] =	stream.linear.gather [hbm4b:s6+s4], $0x1400, $0x38;
	[tilespmem:$0x1ED80] =	vst v63  }
0x55: {  	_ =	swait.ge [sflag:s16], $0x1400  }
0x56: {  	[sflag:s16] =	ssyncset.done $0x0  }
0x57: {  	s2 =	sadd.s32 s3, s2;
	[sflag:s16] =	ssyncadd.s32 $0xFFFFEC00  }
0x58: {  	[tilespmem:s18], [sflag:$0x3] =	stream.linear.gather [hbm4b:s2+s4], $0x1400, $0x38;
	[tilespmem:$0x1ED80] =	vst v63  }
0x59: {  	_ =	swait.ge [sflag:s16], $0x1400  }
0x5a: {  	[sflag:s16] =	ssyncset.done $0x0  }
0x5b: {  	[sflag:s16] =	ssyncadd.s32 $0xFFFFEC00  }
0x5c: {  	[tilespmem:s20], [sflag:$0x1] =	stream.indirect.gather [hbm4b:s0+s19], $0x80, s4, s19, $0xb8;
	[tilespmem:$0x1ED80] =	vst v63  }
0x5d: {  	s4 =	simm.s32 $0x80  }
0x5e: {  	[tilespmem:s21], [sflag:$0x2] =	stream.indirect.gather [hbm4b:s0+s19], $0x80, s4, s19, $0xb8;
	[tilespmem:$0x1ED80] =	vst v63  }
0x5f: {  	_ =	swait.ge [sflag:s22], $0x4000  }
0x60: {  	[sflag:s22] =	ssyncset.done $0x0  }
0x61: {  	s6 =	simm.s32 $0x1400;
	[sflag:s22] =	ssyncadd.s32 $0xFFFFC000  }
0x62: {  	[spmem:s5] =	stream.indirect.scatter.add.f32 [tilespmem:s20], [sflag:$0x3], $0x80, s6, s19, $0xb8;
	[tilespmem:$0x1ED80] =	vst v63  }
0x63: {  	_ =	swait.ge [sflag:s16], $0x4000  }
0x64: {  	[sflag:s16] =	ssyncset.done $0x0  }
0x65: {  	[sflag:s16] =	ssyncadd.s32 $0xFFFFC000  }
0x66: {  	[spmem:s7] =	stream.indirect.scatter.add.f32 [tilespmem:s23], [sflag:$0x3], $0x1, s6, s19, $0xb8;
	[tilespmem:$0x1ED80] =	vst v63  }
0x67: {  	_ =	swait.ge [sflag:s16], $0x80  }
0x68: {  	[sflag:s16] =	ssyncset.done $0x0  }
0x69: {  	s17 =	simm.s32 $0x100;
	[sflag:s16] =	ssyncadd.s32 $0xFFFFFF80  }
0x6a: {  	[tilespmem:s20], [sflag:$0x1] =	stream.indirect.gather [hbm4b:s0+s19], $0x80, s17, s19, $0xb8;
	[tilespmem:$0x1ED80] =	vst v63  }
0x6b: {  	_ =	swait.ge [sflag:s24], $0x4000  }
0x6c: {  	[sflag:s24] =	ssyncset.done $0x0  }
0x6d: {  	s29 =	simm.s32 $0x1480;
	[sflag:s24] =	ssyncadd.s32 $0xFFFFC000  }
0x6e: {  	[spmem:s5] =	stream.indirect.scatter.add.f32 [tilespmem:s21], [sflag:$0x3], $0x80, s29, s19, $0xb8;
	[tilespmem:$0x1ED80] =	vst v63  }
0x6f: {  	_ =	swait.ge [sflag:s16], $0x4000  }
0x70: {  	[sflag:s16] =	ssyncset.done $0x0  }
0x71: {  	[sflag:s16] =	ssyncadd.s32 $0xFFFFC000  }
0x72: {  	[spmem:s7] =	stream.indirect.scatter.add.f32 [tilespmem:s23], [sflag:$0x3], $0x1, s29, s19, $0xb8;
	[tilespmem:$0x1ED80] =	vst v63  }
0x73: {  	_ =	swait.ge [sflag:s16], $0x80  }
0x74: {  	s2 =	simm.s32 $0x100;
	s6 =	simm.s32 $0x800;
	[sflag:s16] =	ssyncset.done $0x0  }
.LBB2_3:
0x75: {  	s4 =	sadd.s32 $0x80, s2  }
0x76: {  	[sflag:s16] =	ssyncadd.s32 $0xFFFFFF80;
	s17 =	smov.u32 s6;
	s29 =	sadd.s32 $0x400, s6  }
0x77: {  	[tilespmem:s21], [sflag:$0x2] =	stream.indirect.gather [hbm4b:s0+s19], $0x80, s4, s19, $0xb8;
	[tilespmem:$0x1ED80] =	vst v63  }
0x78: {  	p1 =	sne.s32 s6, $0x4800;
	_ =	swait.ge [sflag:s22], $0x4000  }
0x79: {  	[sflag:s22] =	ssyncset.done $0x0  }
0x7a: {  	s4 =	sadd.s32 $0x1400, s2;
	[sflag:s22] =	ssyncadd.s32 $0xFFFFC000  }
0x7b: {  	[spmem:s5] =	stream.indirect.scatter.add.f32 [tilespmem:s20], [sflag:$0x3], $0x80, s4, s19, $0xb8;
	[tilespmem:$0x1ED80] =	vst v63  }
0x7c: {  	_ =	swait.ge [sflag:s16], $0x4000  }
0x7d: {  	[sflag:s16] =	ssyncset.done $0x0  }
0x7e: {  	[sflag:s16] =	ssyncadd.s32 $0xFFFFC000  }
0x7f: {  	[spmem:s7] =	stream.indirect.scatter.add.f32 [tilespmem:s23], [sflag:$0x3], $0x1, s4, s19, $0xb8;
	[tilespmem:$0x1ED80] =	vst v63  }
0x80: {  	_ =	swait.ge [sflag:s16], $0x80  }
0x81: {  	[sflag:s16] =	ssyncset.done $0x0  }
0x82: {  	s4 =	sadd.s32 $0x100, s2;
	[sflag:s16] =	ssyncadd.s32 $0xFFFFFF80  }
0x83: {  	[tilespmem:s20], [sflag:$0x1] =	stream.indirect.gather [hbm4b:s0+s19], $0x80, s4, s19, $0xb8;
	[tilespmem:$0x1ED80] =	vst v63  }
0x84: {  	_ =	swait.ge [sflag:s24], $0x4000  }
0x85: {  	[sflag:s24] =	ssyncset.done $0x0  }
0x86: {  	s2 =	sadd.s32 $0x1480, s2;
	[sflag:s24] =	ssyncadd.s32 $0xFFFFC000  }
0x87: {  	[spmem:s5] =	stream.indirect.scatter.add.f32 [tilespmem:s21], [sflag:$0x3], $0x80, s2, s19, $0xb8;
	[tilespmem:$0x1ED80] =	vst v63  }
0x88: {  	_ =	swait.ge [sflag:s16], $0x4000  }
.Ltmp0:
0x89: {  	[sflag:s16] =	ssyncset.done $0x0;
	(pc) =	sbr.rel @p1 .LBB2_3-.Ltmp0, $4  }
0x8a: {  	[sflag:s16] =	ssyncadd.s32 $0xFFFFC000  }
0x8b: {  	[spmem:s7] =	stream.indirect.scatter.add.f32 [tilespmem:s23], [sflag:$0x3], $0x1, s2, s19, $0xb8;
	[tilespmem:$0x1ED80] =	vst v63  }
0x8c: {  	_ =	swait.ge [sflag:s16], $0x80  }
0x8d: {  	s6 =	smov.u32 s29;
	s2 =	sshra.s32 s17, $0x2;
	[sflag:s16] =	ssyncset.done $0x0  }
0x8e: {  	s4 =	sadd.s32 $0x80, s2;
	[sflag:s16] =	ssyncadd.s32 $0xFFFFFF80  }
0x8f: {  	[tilespmem:s21], [sflag:$0x2] =	stream.indirect.gather [hbm4b:s0+s19], $0x80, s4, s19, $0xb8;
	[tilespmem:$0x1ED80] =	vst v63  }
0x90: {  	_ =	swait.ge [sflag:s22], $0x4000  }
0x91: {  	[sflag:s22] =	ssyncset.done $0x0  }
0x92: {  	s6 =	sadd.s32 $0x1400, s2;
	[sflag:s22] =	ssyncadd.s32 $0xFFFFC000  }
0x93: {  	[spmem:s5] =	stream.indirect.scatter.add.f32 [tilespmem:s20], [sflag:$0x3], $0x80, s6, s19, $0xb8;
	[tilespmem:$0x1ED80] =	vst v63  }
0x94: {  	_ =	swait.ge [sflag:s16], $0x4000  }
0x95: {  	[sflag:s16] =	ssyncset.done $0x0  }
0x96: {  	[sflag:s16] =	ssyncadd.s32 $0xFFFFC000  }
0x97: {  	[spmem:s7] =	stream.indirect.scatter.add.f32 [tilespmem:s23], [sflag:$0x3], $0x1, s6, s19, $0xb8;
	[tilespmem:$0x1ED80] =	vst v63  }
0x98: {  	_ =	swait.ge [sflag:s16], $0x80  }
0x99: {  	[sflag:s16] =	ssyncset.done $0x0  }
0x9a: {  	s17 =	sadd.s32 $0x100, s2;
	[sflag:s16] =	ssyncadd.s32 $0xFFFFFF80  }
0x9b: {  	[tilespmem:s20], [sflag:$0x1] =	stream.indirect.gather [hbm4b:s0+s19], $0x80, s17, s19, $0xb8;
	[tilespmem:$0x1ED80] =	vst v63  }
0x9c: {  	_ =	swait.ge [sflag:s24], $0x4000  }
0x9d: {  	[sflag:s24] =	ssyncset.done $0x0  }
0x9e: {  	s29 =	sadd.s32 $0x1480, s2;
	[sflag:s24] =	ssyncadd.s32 $0xFFFFC000  }
0x9f: {  	[spmem:s5] =	stream.indirect.scatter.add.f32 [tilespmem:s21], [sflag:$0x3], $0x80, s29, s19, $0xb8;
	[tilespmem:$0x1ED80] =	vst v63  }
0xa0: {  	_ =	swait.ge [sflag:s16], $0x4000  }
0xa1: {  	[sflag:s16] =	ssyncset.done $0x0  }
0xa2: {  	[sflag:s16] =	ssyncadd.s32 $0xFFFFC000  }
0xa3: {  	[spmem:s7] =	stream.indirect.scatter.add.f32 [tilespmem:s23], [sflag:$0x3], $0x1, s29, s19, $0xb8;
	[tilespmem:$0x1ED80] =	vst v63  }
0xa4: {  	_ =	swait.ge [sflag:s16], $0x80  }
0xa5: {  	[sflag:s16] =	ssyncset.done $0x0  }
0xa6: {  	[sflag:s16] =	ssyncadd.s32 $0xFFFFFF80  }
0xa7: {  	[tilespmem:s21], [sflag:$0x2] =	stream.indirect.gather [hbm4b:s0+s19], $0x80, s25, s19, $0xb8;
	[tilespmem:$0x1ED80] =	vst v63  }
0xa8: {  	_ =	swait.ge [sflag:s22], $0x4000  }
0xa9: {  	[sflag:s22] =	ssyncset.done $0x0  }
0xaa: {  	[sflag:s22] =	ssyncadd.s32 $0xFFFFC000  }
0xab: {  	[spmem:s5] =	stream.indirect.scatter.add.f32 [tilespmem:s20], [sflag:$0x3], $0x80, s26, s19, $0xb8;
	[tilespmem:$0x1ED80] =	vst v63  }
0xac: {  	_ =	swait.ge [sflag:s16], $0x4000  }
0xad: {  	[sflag:s16] =	ssyncset.done $0x0  }
0xae: {  	[sflag:s16] =	ssyncadd.s32 $0xFFFFC000  }
0xaf: {  	[spmem:s7] =	stream.indirect.scatter.add.f32 [tilespmem:s23], [sflag:$0x3], $0x1, s26, s19, $0xb8;
	[tilespmem:$0x1ED80] =	vst v63  }
0xb0: {  	_ =	swait.ge [sflag:s16], $0x80  }
0xb1: {  	[sflag:s16] =	ssyncset.done $0x0  }
0xb2: {  	[sflag:s16] =	ssyncadd.s32 $0xFFFFFF80  }
0xb3: {  	_ =	swait.ge [sflag:s24], $0x4000  }
0xb4: {  	[sflag:s24] =	ssyncset.done $0x0  }
0xb5: {  	p1 =	slt.u32 s31, $0x2;
	[sflag:s24] =	ssyncadd.s32 $0xFFFFC000  }
0xb6: {  	[spmem:s5] =	stream.indirect.scatter.add.f32 [tilespmem:s21], [sflag:$0x3], $0x80, s28, s19, $0xb8;
	[tilespmem:$0x1ED80] =	vst v63  }
0xb7: {  	p1 =	por !p0, !p1;
	_ =	swait.ge [sflag:s16], $0x4000  }
0xb8: {  	p1 =	por !p1, !p1;
	[sflag:s16] =	ssyncset.done $0x0  }
.Ltmp1:
0xb9: {  	[sflag:s16] =	ssyncadd.s32 $0xFFFFC000;
	(pc) =	sbr.rel @p1 .LBB2_2-.Ltmp1, $4  }
0xba: {  	[spmem:s7] =	stream.indirect.scatter.add.f32 [tilespmem:s23], [sflag:$0x3], $0x1, s28, s19, $0xb8;
	[tilespmem:$0x1ED80] =	vst v63  }
0xbb: {  	_ =	swait.ge [sflag:s16], $0x80  }
0xbc: {  	[sflag:s16] =	ssyncset.done $0x0  }
0xbd: {  	s31 =	sadd.s32 $0x1, s31;
	[sflag:s16] =	ssyncadd.s32 $0xFFFFFF80  }
0xbe: {  	[bflag:$0x0] =	sbarrier.arrive $0xFFFF  }
0xbf: {  	[hbm:s12], [sflag:s9] =	dma.local [spmem:s15], $0x2800  }
0xc0: {  	s8 =	sadd.s32 $0x1, s8;
	_ =	swait.ge [sflag:s16], $0x2800  }
0xc1: {  	s2 =	sshrl.u32 s10, $0x3;
	p1 =	sne.s32 s8, s14;
	[sflag:s16] =	ssyncset.done $0x0  }
.Ltmp2:
0xc2: {  	s4 =	simm.s32 $0x20;
	[sflag:s16] =	ssyncadd.s32 $0xFFFFD800;
	(pc) =	sbr.rel @p1 .LBB2_1-.Ltmp2, $4  }
0xc3: {  	[hbm:s13@s4], [sflag:s9] =	dma.strided [spmem:s2@s30], $0x50, s22, $0x10   }
0xc4: {  	_ =	swait.ge [sflag:s16], $0x50  }
0xc5: {  	[sflag:s16] =	ssyncset.done $0x0  }
0xc6: {  	[sflag:s16] =	ssyncadd.s32 $0xFFFFFFB0  }
0xc7: {  	_ =	sfence.sel $0x180000  }
0xc8: {  	[bflag:$0x0] =	sbarrier.arrive $0xFFFF  }
0xc9: {  	_ =	strace $0x90000047  }
0xca: {  	s0 =	stileid.u32;
	[bflag:$0x2] =	sbarrier.arrive $0xFFFF  }
0xcb: {  	p0 =	sne.s32 s0, $0x0;
	s0 =	rddreg [dreg:$0x8]  }
0xcc: {  	s0 =	sadd.s32 @!p0 $0x100000, s0  }
0xcd: {  	[sflag:s0] =	ssyncadd.tile.s32 @!p0 $0x1;
	_ =	shalt  }
.Lfunc_end2:
_tile_overlayer_lowered:
.L_overlay_start_2:
0xce: {  	(tag) =	ssettag $0x2  }
0xcf: {  	s0 =	rddreg [dreg:$0x0];
	s2 =	stileid.u32  }
0xd0: {  	s1 =	rddreg [dreg:$0x1];
	p0 =	sne.s32 s2, $0x0  }
0xd1: {  	s3 =	rddreg [dreg:$0x2];
	[bflag:$0x3] =	sbarrier.arrive $0xFFFF;
	s2 =	simm.s32 @!p0 $0x1C03  }
0xd2: {  	[timem:s3], [sflag:s2] =	dma.local @!p0 [hbm:s0], s1  }
0xd3: {  	s0 =	simm.s32 @!p0 $0x3  }
0xd4: {  	_ =	swait.ge @!p0 [sflag:s0], s1  }
0xd5: {  	s1 =	ssub.s32 @!p0 $0x0, s1;
	[sflag:s0] =	ssyncset.done @!p0 $0x0  }
0xd6: {  	[sflag:s0] =	ssyncadd.s32 @!p0 s1  }
0xd7: {  	[bflag:$0x3] =	sbarrier.arrive $0xFFFF  }
0xd8: {  	_ =	shalt  }

</sc_bundles>
